<compile_context>
chip_gen: v7x
topology: tpu7x:2x2x1
jax: 0.10.2.dev20260603
libtpu: 0.0.44.dev20260713+nightly
codegen_flags: <defaults>
</compile_context>

<pallas_src>
import jax
import jax.numpy as jnp
from jax import lax
from jax.experimental import pallas as pl
from jax.experimental.pallas import tpu as pltpu
from jax.experimental.pallas import tpu_sc as plsc

R = 1000000
D = 32
B = 16384
RPB = 128 // D

NC = 2
NS = 16
L = 16
NW = NC * NS
BPW = B // NW
H = BPW // 2
NKH = H // L


def _gmf_body(users_h, items_h, ut_h, it_h, ws_h, bs_h, out_h,
              uidx, iidx, qu, qi, gu, gi, wsv, bsv, outv, sem):
    wid = lax.axis_index("s") * NC + lax.axis_index("c")
    base = wid * BPW

    pltpu.sync_copy(users_h.at[pl.ds(base, BPW)], uidx)
    pltpu.sync_copy(items_h.at[pl.ds(base, BPW)], iidx)
    pltpu.sync_copy(ws_h, wsv)
    pltpu.sync_copy(bs_h, bsv)

    bias = bsv[...]
    ivec = lax.iota(jnp.int32, L)

    def half(h, carry):
        hb = h * H
        def mkq(k, c):
            jj = pl.ds(hb + k * L, L)
            qu[pl.ds(k * L, L)] = lax.shift_right_logical(uidx[jj], 2)
            qi[pl.ds(k * L, L)] = lax.shift_right_logical(iidx[jj], 2)
            return c

        lax.fori_loop(0, NKH, mkq, 0)

        cu = pltpu.async_copy(ut_h.at[qu], gu, sem)
        ci = pltpu.async_copy(it_h.at[qi], gi, sem)
        cu.wait()
        ci.wait()

        def chunk(k, c):
            jj = pl.ds(hb + k * L, L)
            bvec = ivec + k * L
            uoff = lax.shift_left(uidx[jj] & 3, 5)
            ioff = lax.shift_left(iidx[jj] & 3, 5)
            acc = bias
            for d in range(D):
                u = plsc.load_gather(gu, [bvec, uoff + d])
                i = plsc.load_gather(gi, [bvec, ioff + d])
                acc = acc + wsv[d] * (u * i)
            outv[pl.ds(hb + k * L, L)] = 1.0 / (1.0 + jnp.exp(-acc))
            return c

        lax.fori_loop(0, NKH, chunk, 0)
        return carry

    lax.fori_loop(0, 2, half, 0)

    pltpu.sync_copy(outv, out_h.at[pl.ds(base, BPW)])


@jax.jit
def _gmf(users, items, ut, it, wsplat, bsplat):
    mesh = plsc.VectorSubcoreMesh(core_axis_name="c", subcore_axis_name="s",
                                  num_cores=NC, num_subcores=NS)
    run = pl.kernel(
        _gmf_body,
        out_type=jax.ShapeDtypeStruct((B,), jnp.float32),
        mesh=mesh,
        compiler_params=pltpu.CompilerParams(needs_layout_passes=False),
        scratch_types=[
            pltpu.VMEM((BPW,), jnp.int32),
            pltpu.VMEM((BPW,), jnp.int32),
            pltpu.VMEM((H,), jnp.int32),
            pltpu.VMEM((H,), jnp.int32),
            pltpu.VMEM((H, 128), jnp.float32),
            pltpu.VMEM((H, 128), jnp.float32),
            pltpu.VMEM((D, L), jnp.float32),
            pltpu.VMEM((L,), jnp.float32),
            pltpu.VMEM((BPW,), jnp.float32),
            pltpu.SemaphoreType.DMA,
        ],
    )
    return run(users, items, ut, it, wsplat, bsplat)


def kernel(items, users, user_table, item_table, W, b):
    ut = jnp.concatenate([user_table[r::RPB] for r in range(RPB)], axis=1)
    it = item_table.reshape(R // RPB, D * RPB)
    wsplat = jnp.broadcast_to(W.reshape(D, 1), (D, L)).astype(jnp.float32)
    bsplat = jnp.broadcast_to(b.reshape(1), (L,)).astype(jnp.float32)
    out = _gmf(users.astype(jnp.int32), items.astype(jnp.int32),
               ut, it, wsplat, bsplat)
    return out.reshape(B, 1)

# --- scband reference (transcript-rebuilt; emitter-appended) ---
"""Pipeline reference for scband-gmf-87505663688900 (READ-ONLY COPY).

The authoritative reference and input builder live on the scoring server;
editing this copy changes nothing except your own understanding.
"""

import jax, jax.numpy as jnp
import numpy as np

USER_COUNT = 1000000
ITEM_COUNT = 1000000
GMF_DIM = 32
BATCH = 16384

def setup_inputs(seed: int = 0) -> dict:
    key = jax.random.key(seed)
    k1, k2, k3, k4, k5, k6 = jax.random.split(key, 6)
    items = jax.random.randint(k1, (BATCH,), 0, ITEM_COUNT, dtype=jnp.int64 if jax.config.jax_enable_x64 else jnp.int32)
    users = jax.random.randint(k2, (BATCH,), 0, USER_COUNT, dtype=jnp.int64 if jax.config.jax_enable_x64 else jnp.int32)
    user_table = jax.random.normal(k3, (USER_COUNT, GMF_DIM), dtype=jnp.float32)
    item_table = jax.random.normal(k4, (ITEM_COUNT, GMF_DIM), dtype=jnp.float32)
    W = jax.random.normal(k5, (GMF_DIM, 1), dtype=jnp.float32) * (1.0 / np.sqrt(GMF_DIM))
    b = jax.random.normal(k6, (1,), dtype=jnp.float32) * 0.01
    return {"items": items, "users": users, "user_table": user_table, "item_table": item_table, "W": W, "b": b}

def reference(items, users, user_table, item_table, W, b):
    user_embed = jnp.take(user_table, users, axis=0)
    item_embed = jnp.take(item_table, items, axis=0)
    product = user_embed * item_embed
    logits = product @ W + b
    prob = jax.nn.sigmoid(logits)
    return prob

if __name__ == "__main__":
    import jax
    _d = setup_inputs()
    print(jax.jit(kernel)(*tuple(_d.values())))

</pallas_src>

<mosaic_0001>
#map = affine_map<(d0, d1) -> (0)>
#map1 = affine_map<(d0, d1) -> (0, 0)>
module attributes {stable_mosaic.version = 14 : i64} {
  func.func @_gmf_body(%arg0: i32, %arg1: i32, %arg2: memref<16384xi32, #tpu.memory_space<hbm>>, %arg3: memref<16384xi32, #tpu.memory_space<hbm>>, %arg4: memref<250000x128xf32, #tpu.memory_space<hbm>>, %arg5: memref<250000x128xf32, #tpu.memory_space<hbm>>, %arg6: memref<32x16xf32, #tpu.memory_space<hbm>>, %arg7: memref<16xf32, #tpu.memory_space<hbm>>, %arg8: memref<16384xf32, #tpu.memory_space<hbm>>, %arg9: memref<512xi32, #tpu.memory_space<vmem>>, %arg10: memref<512xi32, #tpu.memory_space<vmem>>, %arg11: memref<256xi32, #tpu.memory_space<vmem>>, %arg12: memref<256xi32, #tpu.memory_space<vmem>>, %arg13: memref<256x128xf32, #tpu.memory_space<vmem>>, %arg14: memref<256x128xf32, #tpu.memory_space<vmem>>, %arg15: memref<32x16xf32, #tpu.memory_space<vmem>>, %arg16: memref<16xf32, #tpu.memory_space<vmem>>, %arg17: memref<512xf32, #tpu.memory_space<vmem>>, %arg18: memref<!tpu.dma_semaphore, #tpu.memory_space<semaphore_mem>>) attributes {dimension_semantics = [#tpu.dimension_semantics<core_parallel>, #tpu.dimension_semantics<subcore_parallel>], iteration_bounds = array<i64: 2, 16>, scalar_prefetch = 0 : i64, scratch_operands = 10 : i64, tpu.core_type = #tpu.core_type<sc_vector_subcore>, window_params = [{transform_indices = #map}, {transform_indices = #map}, {transform_indices = #map1}, {transform_indices = #map1}, {transform_indices = #map1}, {transform_indices = #map}, {transform_indices = #map}]} {
    %mul3A = arith.constant 2 : i32
    %mul3A_0 = arith.muli %arg1, %mul3A : i32
    %add3A = arith.addi %mul3A_0, %arg0 : i32
    %mul3A_1 = arith.constant 512 : i32
    %mul3A_2 = arith.muli %add3A, %mul3A_1 : i32
    "tpu.region"() ({
      %run_scoped3A = tpu.sem_alloc : memref<!tpu.dma_semaphore, #tpu.memory_space<semaphore_mem>>
      %dma_start3A = tpu.memref_slice %arg2[%mul3A_2] : memref<16384xi32, #tpu.memory_space<hbm>> -> memref<512xi32, #tpu.memory_space<hbm>>
      %dma_start3A_9 = tpu.memref_slice %arg2[%mul3A_2] : memref<16384xi32, #tpu.memory_space<hbm>> -> memref<512xi32, #tpu.memory_space<hbm>>
      tpu.enqueue_dma source(%dma_start3A_9 : memref<512xi32, #tpu.memory_space<hbm>>) target(%arg9 : memref<512xi32, #tpu.memory_space<vmem>>) target_semaphore(%run_scoped3A : memref<!tpu.dma_semaphore, #tpu.memory_space<semaphore_mem>>)
      %dma_wait3A = tpu.memref_slice %arg2[%mul3A_2] : memref<16384xi32, #tpu.memory_space<hbm>> -> memref<512xi32, #tpu.memory_space<hbm>>
      %dma_wait3A_10 = tpu.memref_slice %arg2[%mul3A_2] : memref<16384xi32, #tpu.memory_space<hbm>> -> memref<512xi32, #tpu.memory_space<hbm>>
      tpu.wait_dma2 semaphore(%run_scoped3A : memref<!tpu.dma_semaphore, #tpu.memory_space<semaphore_mem>>) src(%dma_wait3A_10 : memref<512xi32, #tpu.memory_space<hbm>>) dst(%arg9 : memref<512xi32, #tpu.memory_space<vmem>>)
      tpu.yield
    }) : () -> ()
    "tpu.region"() ({
      %run_scoped3A = tpu.sem_alloc : memref<!tpu.dma_semaphore, #tpu.memory_space<semaphore_mem>>
      %dma_start3A = tpu.memref_slice %arg3[%mul3A_2] : memref<16384xi32, #tpu.memory_space<hbm>> -> memref<512xi32, #tpu.memory_space<hbm>>
      %dma_start3A_9 = tpu.memref_slice %arg3[%mul3A_2] : memref<16384xi32, #tpu.memory_space<hbm>> -> memref<512xi32, #tpu.memory_space<hbm>>
      tpu.enqueue_dma source(%dma_start3A_9 : memref<512xi32, #tpu.memory_space<hbm>>) target(%arg10 : memref<512xi32, #tpu.memory_space<vmem>>) target_semaphore(%run_scoped3A : memref<!tpu.dma_semaphore, #tpu.memory_space<semaphore_mem>>)
      %dma_wait3A = tpu.memref_slice %arg3[%mul3A_2] : memref<16384xi32, #tpu.memory_space<hbm>> -> memref<512xi32, #tpu.memory_space<hbm>>
      %dma_wait3A_10 = tpu.memref_slice %arg3[%mul3A_2] : memref<16384xi32, #tpu.memory_space<hbm>> -> memref<512xi32, #tpu.memory_space<hbm>>
      tpu.wait_dma2 semaphore(%run_scoped3A : memref<!tpu.dma_semaphore, #tpu.memory_space<semaphore_mem>>) src(%dma_wait3A_10 : memref<512xi32, #tpu.memory_space<hbm>>) dst(%arg10 : memref<512xi32, #tpu.memory_space<vmem>>)
      tpu.yield
    }) : () -> ()
    "tpu.region"() ({
      %run_scoped3A = tpu.sem_alloc : memref<!tpu.dma_semaphore, #tpu.memory_space<semaphore_mem>>
      tpu.enqueue_dma source(%arg6 : memref<32x16xf32, #tpu.memory_space<hbm>>) target(%arg15 : memref<32x16xf32, #tpu.memory_space<vmem>>) target_semaphore(%run_scoped3A : memref<!tpu.dma_semaphore, #tpu.memory_space<semaphore_mem>>)
      tpu.wait_dma2 semaphore(%run_scoped3A : memref<!tpu.dma_semaphore, #tpu.memory_space<semaphore_mem>>) src(%arg6 : memref<32x16xf32, #tpu.memory_space<hbm>>) dst(%arg15 : memref<32x16xf32, #tpu.memory_space<vmem>>)
      tpu.yield
    }) : () -> ()
    "tpu.region"() ({
      %run_scoped3A = tpu.sem_alloc : memref<!tpu.dma_semaphore, #tpu.memory_space<semaphore_mem>>
      tpu.enqueue_dma source(%arg7 : memref<16xf32, #tpu.memory_space<hbm>>) target(%arg16 : memref<16xf32, #tpu.memory_space<vmem>>) target_semaphore(%run_scoped3A : memref<!tpu.dma_semaphore, #tpu.memory_space<semaphore_mem>>)
      tpu.wait_dma2 semaphore(%run_scoped3A : memref<!tpu.dma_semaphore, #tpu.memory_space<semaphore_mem>>) src(%arg7 : memref<16xf32, #tpu.memory_space<hbm>>) dst(%arg16 : memref<16xf32, #tpu.memory_space<vmem>>)
      tpu.yield
    }) : () -> ()
    %get3A = arith.constant 0 : index
    %get3A_3 = tpu.vector_load %arg16[%get3A] {strides = array<i32>} : memref<16xf32, #tpu.memory_space<vmem>>, vector<16xf32>,
    %iota3A = tpu.iota {dimensions = array<i32: 0>} : vector<16xi32>
    %scan3A = arith.constant 0 : i32
    %scan3A_4 = arith.constant 0 : i32
    %scan3A_5 = arith.constant 2 : i32
    %scan3A_6 = arith.addi %scan3A_4, %scan3A_5 : i32
    %scan3A_7 = arith.constant 1 : i32
    scf.for %scan3A_9 = %scan3A_4 to %scan3A_6 step %scan3A_7  : i32 {
      %mul3A_10 = arith.constant 256 : i32
      %mul3A_11 = arith.muli %scan3A_9, %mul3A_10 : i32
      %scan3A_12 = arith.constant 0 : i32
      %scan3A_13 = arith.constant 0 : i32
      %scan3A_14 = arith.constant 16 : i32
      %scan3A_15 = arith.addi %scan3A_13, %scan3A_14 : i32
      %scan3A_16 = arith.constant 1 : i32
      scf.for %scan3A_34 = %scan3A_13 to %scan3A_15 step %scan3A_16  : i32 {
        %mul3A_35 = arith.constant 16 : i32
        %mul3A_36 = arith.muli %scan3A_34, %mul3A_35 : i32
        %add3A_37 = arith.addi %mul3A_11, %mul3A_36 : i32
        %get3A_38 = arith.index_cast %add3A_37 : i32 to index
        %get3A_39 = tpu.vector_load %arg9[%get3A_38] {strides = array<i32>} : memref<512xi32, #tpu.memory_space<vmem>>, vector<16xi32>,
        %shift_right_logical3A = arith.constant 2 : i32
        %shift_right_logical3A_40 = vector.broadcast %shift_right_logical3A : i32 to vector<16xi32>
        %shift_right_logical3A_41 = arith.shrui %get3A_39, %shift_right_logical3A_40 : vector<16xi32>
        %mul3A_42 = arith.constant 16 : i32
        %mul3A_43 = arith.muli %scan3A_34, %mul3A_42 : i32
        %swap3A = arith.index_cast %mul3A_43 : i32 to index
        %swap3A_44 = tpu.vector_load %arg11[%swap3A] {strides = array<i32>} : memref<256xi32, #tpu.memory_space<vmem>>, vector<16xi32>,
        tpu.vector_store %arg11[%swap3A], %shift_right_logical3A_41 {strides = array<i32>} : memref<256xi32, #tpu.memory_space<vmem>>, vector<16xi32>,
        %get3A_45 = arith.index_cast %add3A_37 : i32 to index
        %get3A_46 = tpu.vector_load %arg10[%get3A_45] {strides = array<i32>} : memref<512xi32, #tpu.memory_space<vmem>>, vector<16xi32>,
        %shift_right_logical3A_47 = arith.constant 2 : i32
        %shift_right_logical3A_48 = vector.broadcast %shift_right_logical3A_47 : i32 to vector<16xi32>
        %shift_right_logical3A_49 = arith.shrui %get3A_46, %shift_right_logical3A_48 : vector<16xi32>
        %mul3A_50 = arith.constant 16 : i32
        %mul3A_51 = arith.muli %scan3A_34, %mul3A_50 : i32
        %swap3A_52 = arith.index_cast %mul3A_51 : i32 to index
        %swap3A_53 = tpu.vector_load %arg12[%swap3A_52] {strides = array<i32>} : memref<256xi32, #tpu.memory_space<vmem>>, vector<16xi32>,
        tpu.vector_store %arg12[%swap3A_52], %shift_right_logical3A_49 {strides = array<i32>} : memref<256xi32, #tpu.memory_space<vmem>>, vector<16xi32>,
      }
      %scan3A_17 = arith.constant 16 : i32
      %dma_start3A = arith.constant 0 : i32
      %dma_start3A_18 = arith.constant 0 : i32
      %dma_start3A_19 = tpu.memref_slice %arg4[%dma_start3A, %dma_start3A_18] : memref<250000x128xf32, #tpu.memory_space<hbm>> -> memref<250000x128xf32, #tpu.memory_space<hbm>>
      tpu.enqueue_indirect_dma source(%dma_start3A_19 : memref<250000x128xf32, #tpu.memory_space<hbm>>) target(%arg13 : memref<256x128xf32, #tpu.memory_space<vmem>>) offsets(%arg11 : memref<256xi32, #tpu.memory_space<vmem>>) semaphore(%arg18 : memref<!tpu.dma_semaphore, #tpu.memory_space<semaphore_mem>>)
      %dma_start3A_20 = arith.constant 0 : i32
      %dma_start3A_21 = arith.constant 0 : i32
      %dma_start3A_22 = tpu.memref_slice %arg5[%dma_start3A_20, %dma_start3A_21] : memref<250000x128xf32, #tpu.memory_space<hbm>> -> memref<250000x128xf32, #tpu.memory_space<hbm>>
      tpu.enqueue_indirect_dma source(%dma_start3A_22 : memref<250000x128xf32, #tpu.memory_space<hbm>>) target(%arg14 : memref<256x128xf32, #tpu.memory_space<vmem>>) offsets(%arg12 : memref<256xi32, #tpu.memory_space<vmem>>) semaphore(%arg18 : memref<!tpu.dma_semaphore, #tpu.memory_space<semaphore_mem>>)
      %dma_wait3A = arith.constant 0 : i32
      %dma_wait3A_23 = arith.constant 0 : i32
      %dma_wait3A_24 = tpu.memref_slice %arg4[%dma_wait3A, %dma_wait3A_23] : memref<250000x128xf32, #tpu.memory_space<hbm>> -> memref<250000x128xf32, #tpu.memory_space<hbm>>
      tpu.wait_indirect_dma semaphore(%arg18 : memref<!tpu.dma_semaphore, #tpu.memory_space<semaphore_mem>>) src(%dma_wait3A_24 : memref<250000x128xf32, #tpu.memory_space<hbm>>) dst(%arg13 : memref<256x128xf32, #tpu.memory_space<vmem>>)
      %dma_wait3A_25 = arith.constant 0 : i32
      %dma_wait3A_26 = arith.constant 0 : i32
      %dma_wait3A_27 = tpu.memref_slice %arg5[%dma_wait3A_25, %dma_wait3A_26] : memref<250000x128xf32, #tpu.memory_space<hbm>> -> memref<250000x128xf32, #tpu.memory_space<hbm>>
      tpu.wait_indirect_dma semaphore(%arg18 : memref<!tpu.dma_semaphore, #tpu.memory_space<semaphore_mem>>) src(%dma_wait3A_27 : memref<250000x128xf32, #tpu.memory_space<hbm>>) dst(%arg14 : memref<256x128xf32, #tpu.memory_space<vmem>>)
      %scan3A_28 = arith.constant 0 : i32
      %scan3A_29 = arith.constant 0 : i32
      %scan3A_30 = arith.constant 16 : i32
      %scan3A_31 = arith.addi %scan3A_29, %scan3A_30 : i32
      %scan3A_32 = arith.constant 1 : i32
      scf.for %scan3A_34 = %scan3A_29 to %scan3A_31 step %scan3A_32  : i32 {
        %mul3A_35 = arith.constant 16 : i32
        %mul3A_36 = arith.muli %scan3A_34, %mul3A_35 : i32
        %add3A_37 = arith.addi %mul3A_11, %mul3A_36 : i32
        %mul3A_38 = arith.constant 16 : i32
        %mul3A_39 = arith.muli %scan3A_34, %mul3A_38 : i32
        %add3A_40 = vector.broadcast %mul3A_39 : i32 to vector<16xi32>
        %add3A_41 = arith.addi %iota3A, %add3A_40 : vector<16xi32>
        %get3A_42 = arith.index_cast %add3A_37 : i32 to index
        %get3A_43 = tpu.vector_load %arg9[%get3A_42] {strides = array<i32>} : memref<512xi32, #tpu.memory_space<vmem>>, vector<16xi32>,
        %and3A = arith.constant 3 : i32
        %and3A_44 = vector.broadcast %and3A : i32 to vector<16xi32>
        %and3A_45 = arith.andi %get3A_43, %and3A_44 : vector<16xi32>
        %shift_left3A = arith.constant 5 : i32
        %shift_left3A_46 = vector.broadcast %shift_left3A : i32 to vector<16xi32>
        %shift_left3A_47 = arith.shli %and3A_45, %shift_left3A_46 : vector<16xi32>
        %get3A_48 = arith.index_cast %add3A_37 : i32 to index
        %get3A_49 = tpu.vector_load %arg10[%get3A_48] {strides = array<i32>} : memref<512xi32, #tpu.memory_space<vmem>>, vector<16xi32>,
        %and3A_50 = arith.constant 3 : i32
        %and3A_51 = vector.broadcast %and3A_50 : i32 to vector<16xi32>
        %and3A_52 = arith.andi %get3A_49, %and3A_51 : vector<16xi32>
        %shift_left3A_53 = arith.constant 5 : i32
        %shift_left3A_54 = vector.broadcast %shift_left3A_53 : i32 to vector<16xi32>
        %shift_left3A_55 = arith.shli %and3A_52, %shift_left3A_54 : vector<16xi32>
        %add3A_56 = arith.constant 0 : i32
        %add3A_57 = vector.broadcast %add3A_56 : i32 to vector<16xi32>
        %add3A_58 = arith.addi %shift_left3A_47, %add3A_57 : vector<16xi32>
        %gather3A = tpu.vector_load_idx %arg13[%add3A_41, %add3A_58] : memref<256x128xf32, #tpu.memory_space<vmem>>[vector<16xi32>, vector<16xi32>], vector<16xf32>,
        %add3A_59 = arith.constant 0 : i32
        %add3A_60 = vector.broadcast %add3A_59 : i32 to vector<16xi32>
        %add3A_61 = arith.addi %shift_left3A_55, %add3A_60 : vector<16xi32>
        %gather3A_62 = tpu.vector_load_idx %arg14[%add3A_41, %add3A_61] : memref<256x128xf32, #tpu.memory_space<vmem>>[vector<16xi32>, vector<16xi32>], vector<16xf32>,
        %get3A_63 = arith.constant 0 : i32
        %get3A_64 = arith.index_cast %get3A_63 : i32 to index
        %get3A_65 = arith.constant 0 : index
        %get3A_66 = tpu.vector_load %arg15[%get3A_64, %get3A_65] {strides = array<i32>} : memref<32x16xf32, #tpu.memory_space<vmem>>, vector<16xf32>,
        %mul3A_67 = arith.mulf %gather3A, %gather3A_62 : vector<16xf32>
        %mul3A_68 = arith.mulf %get3A_66, %mul3A_67 : vector<16xf32>
        %add3A_69 = arith.addf %get3A_3, %mul3A_68 : vector<16xf32>
        %add3A_70 = arith.constant 1 : i32
        %add3A_71 = vector.broadcast %add3A_70 : i32 to vector<16xi32>
        %add3A_72 = arith.addi %shift_left3A_47, %add3A_71 : vector<16xi32>
        %gather3A_73 = tpu.vector_load_idx %arg13[%add3A_41, %add3A_72] : memref<256x128xf32, #tpu.memory_space<vmem>>[vector<16xi32>, vector<16xi32>], vector<16xf32>,
        %add3A_74 = arith.constant 1 : i32
        %add3A_75 = vector.broadcast %add3A_74 : i32 to vector<16xi32>
        %add3A_76 = arith.addi %shift_left3A_55, %add3A_75 : vector<16xi32>
        %gather3A_77 = tpu.vector_load_idx %arg14[%add3A_41, %add3A_76] : memref<256x128xf32, #tpu.memory_space<vmem>>[vector<16xi32>, vector<16xi32>], vector<16xf32>,
        %get3A_78 = arith.constant 1 : i32
        %get3A_79 = arith.index_cast %get3A_78 : i32 to index
        %get3A_80 = arith.constant 0 : index
        %get3A_81 = tpu.vector_load %arg15[%get3A_79, %get3A_80] {strides = array<i32>} : memref<32x16xf32, #tpu.memory_space<vmem>>, vector<16xf32>,
        %mul3A_82 = arith.mulf %gather3A_73, %gather3A_77 : vector<16xf32>
        %mul3A_83 = arith.mulf %get3A_81, %mul3A_82 : vector<16xf32>
        %add3A_84 = arith.addf %add3A_69, %mul3A_83 : vector<16xf32>
        %add3A_85 = arith.constant 2 : i32
        %add3A_86 = vector.broadcast %add3A_85 : i32 to vector<16xi32>
        %add3A_87 = arith.addi %shift_left3A_47, %add3A_86 : vector<16xi32>
        %gather3A_88 = tpu.vector_load_idx %arg13[%add3A_41, %add3A_87] : memref<256x128xf32, #tpu.memory_space<vmem>>[vector<16xi32>, vector<16xi32>], vector<16xf32>,
        %add3A_89 = arith.constant 2 : i32
        %add3A_90 = vector.broadcast %add3A_89 : i32 to vector<16xi32>
        %add3A_91 = arith.addi %shift_left3A_55, %add3A_90 : vector<16xi32>
        %gather3A_92 = tpu.vector_load_idx %arg14[%add3A_41, %add3A_91] : memref<256x128xf32, #tpu.memory_space<vmem>>[vector<16xi32>, vector<16xi32>], vector<16xf32>,
        %get3A_93 = arith.constant 2 : i32
        %get3A_94 = arith.index_cast %get3A_93 : i32 to index
        %get3A_95 = arith.constant 0 : index
        %get3A_96 = tpu.vector_load %arg15[%get3A_94, %get3A_95] {strides = array<i32>} : memref<32x16xf32, #tpu.memory_space<vmem>>, vector<16xf32>,
        %mul3A_97 = arith.mulf %gather3A_88, %gather3A_92 : vector<16xf32>
        %mul3A_98 = arith.mulf %get3A_96, %mul3A_97 : vector<16xf32>
        %add3A_99 = arith.addf %add3A_84, %mul3A_98 : vector<16xf32>
        %add3A_100 = arith.constant 3 : i32
        %add3A_101 = vector.broadcast %add3A_100 : i32 to vector<16xi32>
        %add3A_102 = arith.addi %shift_left3A_47, %add3A_101 : vector<16xi32>
        %gather3A_103 = tpu.vector_load_idx %arg13[%add3A_41, %add3A_102] : memref<256x128xf32, #tpu.memory_space<vmem>>[vector<16xi32>, vector<16xi32>], vector<16xf32>,
        %add3A_104 = arith.constant 3 : i32
        %add3A_105 = vector.broadcast %add3A_104 : i32 to vector<16xi32>
        %add3A_106 = arith.addi %shift_left3A_55, %add3A_105 : vector<16xi32>
        %gather3A_107 = tpu.vector_load_idx %arg14[%add3A_41, %add3A_106] : memref<256x128xf32, #tpu.memory_space<vmem>>[vector<16xi32>, vector<16xi32>], vector<16xf32>,
        %get3A_108 = arith.constant 3 : i32
        %get3A_109 = arith.index_cast %get3A_108 : i32 to index
        %get3A_110 = arith.constant 0 : index
        %get3A_111 = tpu.vector_load %arg15[%get3A_109, %get3A_110] {strides = array<i32>} : memref<32x16xf32, #tpu.memory_space<vmem>>, vector<16xf32>,
        %mul3A_112 = arith.mulf %gather3A_103, %gather3A_107 : vector<16xf32>
        %mul3A_113 = arith.mulf %get3A_111, %mul3A_112 : vector<16xf32>
        %add3A_114 = arith.addf %add3A_99, %mul3A_113 : vector<16xf32>
        %add3A_115 = arith.constant 4 : i32
        %add3A_116 = vector.broadcast %add3A_115 : i32 to vector<16xi32>
        %add3A_117 = arith.addi %shift_left3A_47, %add3A_116 : vector<16xi32>
        %gather3A_118 = tpu.vector_load_idx %arg13[%add3A_41, %add3A_117] : memref<256x128xf32, #tpu.memory_space<vmem>>[vector<16xi32>, vector<16xi32>], vector<16xf32>,
        %add3A_119 = arith.constant 4 : i32
        %add3A_120 = vector.broadcast %add3A_119 : i32 to vector<16xi32>
        %add3A_121 = arith.addi %shift_left3A_55, %add3A_120 : vector<16xi32>
        %gather3A_122 = tpu.vector_load_idx %arg14[%add3A_41, %add3A_121] : memref<256x128xf32, #tpu.memory_space<vmem>>[vector<16xi32>, vector<16xi32>], vector<16xf32>,
        %get3A_123 = arith.constant 4 : i32
        %get3A_124 = arith.index_cast %get3A_123 : i32 to index
        %get3A_125 = arith.constant 0 : index
        %get3A_126 = tpu.vector_load %arg15[%get3A_124, %get3A_125] {strides = array<i32>} : memref<32x16xf32, #tpu.memory_space<vmem>>, vector<16xf32>,
        %mul3A_127 = arith.mulf %gather3A_118, %gather3A_122 : vector<16xf32>
        %mul3A_128 = arith.mulf %get3A_126, %mul3A_127 : vector<16xf32>
        %add3A_129 = arith.addf %add3A_114, %mul3A_128 : vector<16xf32>
        %add3A_130 = arith.constant 5 : i32
        %add3A_131 = vector.broadcast %add3A_130 : i32 to vector<16xi32>
        %add3A_132 = arith.addi %shift_left3A_47, %add3A_131 : vector<16xi32>
        %gather3A_133 = tpu.vector_load_idx %arg13[%add3A_41, %add3A_132] : memref<256x128xf32, #tpu.memory_space<vmem>>[vector<16xi32>, vector<16xi32>], vector<16xf32>,
        %add3A_134 = arith.constant 5 : i32
        %add3A_135 = vector.broadcast %add3A_134 : i32 to vector<16xi32>
        %add3A_136 = arith.addi %shift_left3A_55, %add3A_135 : vector<16xi32>
        %gather3A_137 = tpu.vector_load_idx %arg14[%add3A_41, %add3A_136] : memref<256x128xf32, #tpu.memory_space<vmem>>[vector<16xi32>, vector<16xi32>], vector<16xf32>,
        %get3A_138 = arith.constant 5 : i32
        %get3A_139 = arith.index_cast %get3A_138 : i32 to index
        %get3A_140 = arith.constant 0 : index
        %get3A_141 = tpu.vector_load %arg15[%get3A_139, %get3A_140] {strides = array<i32>} : memref<32x16xf32, #tpu.memory_space<vmem>>, vector<16xf32>,
        %mul3A_142 = arith.mulf %gather3A_133, %gather3A_137 : vector<16xf32>
        %mul3A_143 = arith.mulf %get3A_141, %mul3A_142 : vector<16xf32>
        %add3A_144 = arith.addf %add3A_129, %mul3A_143 : vector<16xf32>
        %add3A_145 = arith.constant 6 : i32
        %add3A_146 = vector.broadcast %add3A_145 : i32 to vector<16xi32>
        %add3A_147 = arith.addi %shift_left3A_47, %add3A_146 : vector<16xi32>
        %gather3A_148 = tpu.vector_load_idx %arg13[%add3A_41, %add3A_147] : memref<256x128xf32, #tpu.memory_space<vmem>>[vector<16xi32>, vector<16xi32>], vector<16xf32>,
        %add3A_149 = arith.constant 6 : i32
        %add3A_150 = vector.broadcast %add3A_149 : i32 to vector<16xi32>
        %add3A_151 = arith.addi %shift_left3A_55, %add3A_150 : vector<16xi32>
        %gather3A_152 = tpu.vector_load_idx %arg14[%add3A_41, %add3A_151] : memref<256x128xf32, #tpu.memory_space<vmem>>[vector<16xi32>, vector<16xi32>], vector<16xf32>,
        %get3A_153 = arith.constant 6 : i32
        %get3A_154 = arith.index_cast %get3A_153 : i32 to index
        %get3A_155 = arith.constant 0 : index
        %get3A_156 = tpu.vector_load %arg15[%get3A_154, %get3A_155] {strides = array<i32>} : memref<32x16xf32, #tpu.memory_space<vmem>>, vector<16xf32>,
        %mul3A_157 = arith.mulf %gather3A_148, %gather3A_152 : vector<16xf32>
        %mul3A_158 = arith.mulf %get3A_156, %mul3A_157 : vector<16xf32>
        %add3A_159 = arith.addf %add3A_144, %mul3A_158 : vector<16xf32>
        %add3A_160 = arith.constant 7 : i32
        %add3A_161 = vector.broadcast %add3A_160 : i32 to vector<16xi32>
        %add3A_162 = arith.addi %shift_left3A_47, %add3A_161 : vector<16xi32>
        %gather3A_163 = tpu.vector_load_idx %arg13[%add3A_41, %add3A_162] : memref<256x128xf32, #tpu.memory_space<vmem>>[vector<16xi32>, vector<16xi32>], vector<16xf32>,
        %add3A_164 = arith.constant 7 : i32
        %add3A_165 = vector.broadcast %add3A_164 : i32 to vector<16xi32>
        %add3A_166 = arith.addi %shift_left3A_55, %add3A_165 : vector<16xi32>
        %gather3A_167 = tpu.vector_load_idx %arg14[%add3A_41, %add3A_166] : memref<256x128xf32, #tpu.memory_space<vmem>>[vector<16xi32>, vector<16xi32>], vector<16xf32>,
        %get3A_168 = arith.constant 7 : i32
        %get3A_169 = arith.index_cast %get3A_168 : i32 to index
        %get3A_170 = arith.constant 0 : index
        %get3A_171 = tpu.vector_load %arg15[%get3A_169, %get3A_170] {strides = array<i32>} : memref<32x16xf32, #tpu.memory_space<vmem>>, vector<16xf32>,
        %mul3A_172 = arith.mulf %gather3A_163, %gather3A_167 : vector<16xf32>
        %mul3A_173 = arith.mulf %get3A_171, %mul3A_172 : vector<16xf32>
        %add3A_174 = arith.addf %add3A_159, %mul3A_173 : vector<16xf32>
        %add3A_175 = arith.constant 8 : i32
        %add3A_176 = vector.broadcast %add3A_175 : i32 to vector<16xi32>
        %add3A_177 = arith.addi %shift_left3A_47, %add3A_176 : vector<16xi32>
        %gather3A_178 = tpu.vector_load_idx %arg13[%add3A_41, %add3A_177] : memref<256x128xf32, #tpu.memory_space<vmem>>[vector<16xi32>, vector<16xi32>], vector<16xf32>,
        %add3A_179 = arith.constant 8 : i32
        %add3A_180 = vector.broadcast %add3A_179 : i32 to vector<16xi32>
        %add3A_181 = arith.addi %shift_left3A_55, %add3A_180 : vector<16xi32>
        %gather3A_182 = tpu.vector_load_idx %arg14[%add3A_41, %add3A_181] : memref<256x128xf32, #tpu.memory_space<vmem>>[vector<16xi32>, vector<16xi32>], vector<16xf32>,
        %get3A_183 = arith.constant 8 : i32
        %get3A_184 = arith.index_cast %get3A_183 : i32 to index
        %get3A_185 = arith.constant 0 : index
        %get3A_186 = tpu.vector_load %arg15[%get3A_184, %get3A_185] {strides = array<i32>} : memref<32x16xf32, #tpu.memory_space<vmem>>, vector<16xf32>,
        %mul3A_187 = arith.mulf %gather3A_178, %gather3A_182 : vector<16xf32>
        %mul3A_188 = arith.mulf %get3A_186, %mul3A_187 : vector<16xf32>
        %add3A_189 = arith.addf %add3A_174, %mul3A_188 : vector<16xf32>
        %add3A_190 = arith.constant 9 : i32
        %add3A_191 = vector.broadcast %add3A_190 : i32 to vector<16xi32>
        %add3A_192 = arith.addi %shift_left3A_47, %add3A_191 : vector<16xi32>
        %gather3A_193 = tpu.vector_load_idx %arg13[%add3A_41, %add3A_192] : memref<256x128xf32, #tpu.memory_space<vmem>>[vector<16xi32>, vector<16xi32>], vector<16xf32>,
        %add3A_194 = arith.constant 9 : i32
        %add3A_195 = vector.broadcast %add3A_194 : i32 to vector<16xi32>
        %add3A_196 = arith.addi %shift_left3A_55, %add3A_195 : vector<16xi32>
        %gather3A_197 = tpu.vector_load_idx %arg14[%add3A_41, %add3A_196] : memref<256x128xf32, #tpu.memory_space<vmem>>[vector<16xi32>, vector<16xi32>], vector<16xf32>,
        %get3A_198 = arith.constant 9 : i32
        %get3A_199 = arith.index_cast %get3A_198 : i32 to index
        %get3A_200 = arith.constant 0 : index
        %get3A_201 = tpu.vector_load %arg15[%get3A_199, %get3A_200] {strides = array<i32>} : memref<32x16xf32, #tpu.memory_space<vmem>>, vector<16xf32>,
        %mul3A_202 = arith.mulf %gather3A_193, %gather3A_197 : vector<16xf32>
        %mul3A_203 = arith.mulf %get3A_201, %mul3A_202 : vector<16xf32>
        %add3A_204 = arith.addf %add3A_189, %mul3A_203 : vector<16xf32>
        %add3A_205 = arith.constant 10 : i32
        %add3A_206 = vector.broadcast %add3A_205 : i32 to vector<16xi32>
        %add3A_207 = arith.addi %shift_left3A_47, %add3A_206 : vector<16xi32>
        %gather3A_208 = tpu.vector_load_idx %arg13[%add3A_41, %add3A_207] : memref<256x128xf32, #tpu.memory_space<vmem>>[vector<16xi32>, vector<16xi32>], vector<16xf32>,
        %add3A_209 = arith.constant 10 : i32
        %add3A_210 = vector.broadcast %add3A_209 : i32 to vector<16xi32>
        %add3A_211 = arith.addi %shift_left3A_55, %add3A_210 : vector<16xi32>
        %gather3A_212 = tpu.vector_load_idx %arg14[%add3A_41, %add3A_211] : memref<256x128xf32, #tpu.memory_space<vmem>>[vector<16xi32>, vector<16xi32>], vector<16xf32>,
        %get3A_213 = arith.constant 10 : i32
        %get3A_214 = arith.index_cast %get3A_213 : i32 to index
        %get3A_215 = arith.constant 0 : index
        %get3A_216 = tpu.vector_load %arg15[%get3A_214, %get3A_215] {strides = array<i32>} : memref<32x16xf32, #tpu.memory_space<vmem>>, vector<16xf32>,
        %mul3A_217 = arith.mulf %gather3A_208, %gather3A_212 : vector<16xf32>
        %mul3A_218 = arith.mulf %get3A_216, %mul3A_217 : vector<16xf32>
        %add3A_219 = arith.addf %add3A_204, %mul3A_218 : vector<16xf32>
        %add3A_220 = arith.constant 11 : i32
        %add3A_221 = vector.broadcast %add3A_220 : i32 to vector<16xi32>
        %add3A_222 = arith.addi %shift_left3A_47, %add3A_221 : vector<16xi32>
        %gather3A_223 = tpu.vector_load_idx %arg13[%add3A_41, %add3A_222] : memref<256x128xf32, #tpu.memory_space<vmem>>[vector<16xi32>, vector<16xi32>], vector<16xf32>,
        %add3A_224 = arith.constant 11 : i32
        %add3A_225 = vector.broadcast %add3A_224 : i32 to vector<16xi32>
        %add3A_226 = arith.addi %shift_left3A_55, %add3A_225 : vector<16xi32>
        %gather3A_227 = tpu.vector_load_idx %arg14[%add3A_41, %add3A_226] : memref<256x128xf32, #tpu.memory_space<vmem>>[vector<16xi32>, vector<16xi32>], vector<16xf32>,
        %get3A_228 = arith.constant 11 : i32
        %get3A_229 = arith.index_cast %get3A_228 : i32 to index
        %get3A_230 = arith.constant 0 : index
        %get3A_231 = tpu.vector_load %arg15[%get3A_229, %get3A_230] {strides = array<i32>} : memref<32x16xf32, #tpu.memory_space<vmem>>, vector<16xf32>,
        %mul3A_232 = arith.mulf %gather3A_223, %gather3A_227 : vector<16xf32>
        %mul3A_233 = arith.mulf %get3A_231, %mul3A_232 : vector<16xf32>
        %add3A_234 = arith.addf %add3A_219, %mul3A_233 : vector<16xf32>
        %add3A_235 = arith.constant 12 : i32
        %add3A_236 = vector.broadcast %add3A_235 : i32 to vector<16xi32>
        %add3A_237 = arith.addi %shift_left3A_47, %add3A_236 : vector<16xi32>
        %gather3A_238 = tpu.vector_load_idx %arg13[%add3A_41, %add3A_237] : memref<256x128xf32, #tpu.memory_space<vmem>>[vector<16xi32>, vector<16xi32>], vector<16xf32>,
        %add3A_239 = arith.constant 12 : i32
        %add3A_240 = vector.broadcast %add3A_239 : i32 to vector<16xi32>
        %add3A_241 = arith.addi %shift_left3A_55, %add3A_240 : vector<16xi32>
        %gather3A_242 = tpu.vector_load_idx %arg14[%add3A_41, %add3A_241] : memref<256x128xf32, #tpu.memory_space<vmem>>[vector<16xi32>, vector<16xi32>], vector<16xf32>,
        %get3A_243 = arith.constant 12 : i32
        %get3A_244 = arith.index_cast %get3A_243 : i32 to index
        %get3A_245 = arith.constant 0 : index
        %get3A_246 = tpu.vector_load %arg15[%get3A_244, %get3A_245] {strides = array<i32>} : memref<32x16xf32, #tpu.memory_space<vmem>>, vector<16xf32>,
        %mul3A_247 = arith.mulf %gather3A_238, %gather3A_242 : vector<16xf32>
        %mul3A_248 = arith.mulf %get3A_246, %mul3A_247 : vector<16xf32>
        %add3A_249 = arith.addf %add3A_234, %mul3A_248 : vector<16xf32>
        %add3A_250 = arith.constant 13 : i32
        %add3A_251 = vector.broadcast %add3A_250 : i32 to vector<16xi32>
        %add3A_252 = arith.addi %shift_left3A_47, %add3A_251 : vector<16xi32>
        %gather3A_253 = tpu.vector_load_idx %arg13[%add3A_41, %add3A_252] : memref<256x128xf32, #tpu.memory_space<vmem>>[vector<16xi32>, vector<16xi32>], vector<16xf32>,
        %add3A_254 = arith.constant 13 : i32
        %add3A_255 = vector.broadcast %add3A_254 : i32 to vector<16xi32>
        %add3A_256 = arith.addi %shift_left3A_55, %add3A_255 : vector<16xi32>
        %gather3A_257 = tpu.vector_load_idx %arg14[%add3A_41, %add3A_256] : memref<256x128xf32, #tpu.memory_space<vmem>>[vector<16xi32>, vector<16xi32>], vector<16xf32>,
        %get3A_258 = arith.constant 13 : i32
        %get3A_259 = arith.index_cast %get3A_258 : i32 to index
        %get3A_260 = arith.constant 0 : index
        %get3A_261 = tpu.vector_load %arg15[%get3A_259, %get3A_260] {strides = array<i32>} : memref<32x16xf32, #tpu.memory_space<vmem>>, vector<16xf32>,
        %mul3A_262 = arith.mulf %gather3A_253, %gather3A_257 : vector<16xf32>
        %mul3A_263 = arith.mulf %get3A_261, %mul3A_262 : vector<16xf32>
        %add3A_264 = arith.addf %add3A_249, %mul3A_263 : vector<16xf32>
        %add3A_265 = arith.constant 14 : i32
        %add3A_266 = vector.broadcast %add3A_265 : i32 to vector<16xi32>
        %add3A_267 = arith.addi %shift_left3A_47, %add3A_266 : vector<16xi32>
        %gather3A_268 = tpu.vector_load_idx %arg13[%add3A_41, %add3A_267] : memref<256x128xf32, #tpu.memory_space<vmem>>[vector<16xi32>, vector<16xi32>], vector<16xf32>,
        %add3A_269 = arith.constant 14 : i32
        %add3A_270 = vector.broadcast %add3A_269 : i32 to vector<16xi32>
        %add3A_271 = arith.addi %shift_left3A_55, %add3A_270 : vector<16xi32>
        %gather3A_272 = tpu.vector_load_idx %arg14[%add3A_41, %add3A_271] : memref<256x128xf32, #tpu.memory_space<vmem>>[vector<16xi32>, vector<16xi32>], vector<16xf32>,
        %get3A_273 = arith.constant 14 : i32
        %get3A_274 = arith.index_cast %get3A_273 : i32 to index
        %get3A_275 = arith.constant 0 : index
        %get3A_276 = tpu.vector_load %arg15[%get3A_274, %get3A_275] {strides = array<i32>} : memref<32x16xf32, #tpu.memory_space<vmem>>, vector<16xf32>,
        %mul3A_277 = arith.mulf %gather3A_268, %gather3A_272 : vector<16xf32>
        %mul3A_278 = arith.mulf %get3A_276, %mul3A_277 : vector<16xf32>
        %add3A_279 = arith.addf %add3A_264, %mul3A_278 : vector<16xf32>
        %add3A_280 = arith.constant 15 : i32
        %add3A_281 = vector.broadcast %add3A_280 : i32 to vector<16xi32>
        %add3A_282 = arith.addi %shift_left3A_47, %add3A_281 : vector<16xi32>
        %gather3A_283 = tpu.vector_load_idx %arg13[%add3A_41, %add3A_282] : memref<256x128xf32, #tpu.memory_space<vmem>>[vector<16xi32>, vector<16xi32>], vector<16xf32>,
        %add3A_284 = arith.constant 15 : i32
        %add3A_285 = vector.broadcast %add3A_284 : i32 to vector<16xi32>
        %add3A_286 = arith.addi %shift_left3A_55, %add3A_285 : vector<16xi32>
        %gather3A_287 = tpu.vector_load_idx %arg14[%add3A_41, %add3A_286] : memref<256x128xf32, #tpu.memory_space<vmem>>[vector<16xi32>, vector<16xi32>], vector<16xf32>,
        %get3A_288 = arith.constant 15 : i32
        %get3A_289 = arith.index_cast %get3A_288 : i32 to index
        %get3A_290 = arith.constant 0 : index
        %get3A_291 = tpu.vector_load %arg15[%get3A_289, %get3A_290] {strides = array<i32>} : memref<32x16xf32, #tpu.memory_space<vmem>>, vector<16xf32>,
        %mul3A_292 = arith.mulf %gather3A_283, %gather3A_287 : vector<16xf32>
        %mul3A_293 = arith.mulf %get3A_291, %mul3A_292 : vector<16xf32>
        %add3A_294 = arith.addf %add3A_279, %mul3A_293 : vector<16xf32>
        %add3A_295 = arith.constant 16 : i32
        %add3A_296 = vector.broadcast %add3A_295 : i32 to vector<16xi32>
        %add3A_297 = arith.addi %shift_left3A_47, %add3A_296 : vector<16xi32>
        %gather3A_298 = tpu.vector_load_idx %arg13[%add3A_41, %add3A_297] : memref<256x128xf32, #tpu.memory_space<vmem>>[vector<16xi32>, vector<16xi32>], vector<16xf32>,
        %add3A_299 = arith.constant 16 : i32
        %add3A_300 = vector.broadcast %add3A_299 : i32 to vector<16xi32>
        %add3A_301 = arith.addi %shift_left3A_55, %add3A_300 : vector<16xi32>
        %gather3A_302 = tpu.vector_load_idx %arg14[%add3A_41, %add3A_301] : memref<256x128xf32, #tpu.memory_space<vmem>>[vector<16xi32>, vector<16xi32>], vector<16xf32>,
        %get3A_303 = arith.constant 16 : i32
        %get3A_304 = arith.index_cast %get3A_303 : i32 to index
        %get3A_305 = arith.constant 0 : index
        %get3A_306 = tpu.vector_load %arg15[%get3A_304, %get3A_305] {strides = array<i32>} : memref<32x16xf32, #tpu.memory_space<vmem>>, vector<16xf32>,
        %mul3A_307 = arith.mulf %gather3A_298, %gather3A_302 : vector<16xf32>
        %mul3A_308 = arith.mulf %get3A_306, %mul3A_307 : vector<16xf32>
        %add3A_309 = arith.addf %add3A_294, %mul3A_308 : vector<16xf32>
        %add3A_310 = arith.constant 17 : i32
        %add3A_311 = vector.broadcast %add3A_310 : i32 to vector<16xi32>
        %add3A_312 = arith.addi %shift_left3A_47, %add3A_311 : vector<16xi32>
        %gather3A_313 = tpu.vector_load_idx %arg13[%add3A_41, %add3A_312] : memref<256x128xf32, #tpu.memory_space<vmem>>[vector<16xi32>, vector<16xi32>], vector<16xf32>,
        %add3A_314 = arith.constant 17 : i32
        %add3A_315 = vector.broadcast %add3A_314 : i32 to vector<16xi32>
        %add3A_316 = arith.addi %shift_left3A_55, %add3A_315 : vector<16xi32>
        %gather3A_317 = tpu.vector_load_idx %arg14[%add3A_41, %add3A_316] : memref<256x128xf32, #tpu.memory_space<vmem>>[vector<16xi32>, vector<16xi32>], vector<16xf32>,
        %get3A_318 = arith.constant 17 : i32
        %get3A_319 = arith.index_cast %get3A_318 : i32 to index
        %get3A_320 = arith.constant 0 : index
        %get3A_321 = tpu.vector_load %arg15[%get3A_319, %get3A_320] {strides = array<i32>} : memref<32x16xf32, #tpu.memory_space<vmem>>, vector<16xf32>,
        %mul3A_322 = arith.mulf %gather3A_313, %gather3A_317 : vector<16xf32>
        %mul3A_323 = arith.mulf %get3A_321, %mul3A_322 : vector<16xf32>
        %add3A_324 = arith.addf %add3A_309, %mul3A_323 : vector<16xf32>
        %add3A_325 = arith.constant 18 : i32
        %add3A_326 = vector.broadcast %add3A_325 : i32 to vector<16xi32>
        %add3A_327 = arith.addi %shift_left3A_47, %add3A_326 : vector<16xi32>
        %gather3A_328 = tpu.vector_load_idx %arg13[%add3A_41, %add3A_327] : memref<256x128xf32, #tpu.memory_space<vmem>>[vector<16xi32>, vector<16xi32>], vector<16xf32>,
        %add3A_329 = arith.constant 18 : i32
        %add3A_330 = vector.broadcast %add3A_329 : i32 to vector<16xi32>
        %add3A_331 = arith.addi %shift_left3A_55, %add3A_330 : vector<16xi32>
        %gather3A_332 = tpu.vector_load_idx %arg14[%add3A_41, %add3A_331] : memref<256x128xf32, #tpu.memory_space<vmem>>[vector<16xi32>, vector<16xi32>], vector<16xf32>,
        %get3A_333 = arith.constant 18 : i32
        %get3A_334 = arith.index_cast %get3A_333 : i32 to index
        %get3A_335 = arith.constant 0 : index
        %get3A_336 = tpu.vector_load %arg15[%get3A_334, %get3A_335] {strides = array<i32>} : memref<32x16xf32, #tpu.memory_space<vmem>>, vector<16xf32>,
        %mul3A_337 = arith.mulf %gather3A_328, %gather3A_332 : vector<16xf32>
        %mul3A_338 = arith.mulf %get3A_336, %mul3A_337 : vector<16xf32>
        %add3A_339 = arith.addf %add3A_324, %mul3A_338 : vector<16xf32>
        %add3A_340 = arith.constant 19 : i32
        %add3A_341 = vector.broadcast %add3A_340 : i32 to vector<16xi32>
        %add3A_342 = arith.addi %shift_left3A_47, %add3A_341 : vector<16xi32>
        %gather3A_343 = tpu.vector_load_idx %arg13[%add3A_41, %add3A_342] : memref<256x128xf32, #tpu.memory_space<vmem>>[vector<16xi32>, vector<16xi32>], vector<16xf32>,
        %add3A_344 = arith.constant 19 : i32
        %add3A_345 = vector.broadcast %add3A_344 : i32 to vector<16xi32>
        %add3A_346 = arith.addi %shift_left3A_55, %add3A_345 : vector<16xi32>
        %gather3A_347 = tpu.vector_load_idx %arg14[%add3A_41, %add3A_346] : memref<256x128xf32, #tpu.memory_space<vmem>>[vector<16xi32>, vector<16xi32>], vector<16xf32>,
        %get3A_348 = arith.constant 19 : i32
        %get3A_349 = arith.index_cast %get3A_348 : i32 to index
        %get3A_350 = arith.constant 0 : index
        %get3A_351 = tpu.vector_load %arg15[%get3A_349, %get3A_350] {strides = array<i32>} : memref<32x16xf32, #tpu.memory_space<vmem>>, vector<16xf32>,
        %mul3A_352 = arith.mulf %gather3A_343, %gather3A_347 : vector<16xf32>
        %mul3A_353 = arith.mulf %get3A_351, %mul3A_352 : vector<16xf32>
        %add3A_354 = arith.addf %add3A_339, %mul3A_353 : vector<16xf32>
        %add3A_355 = arith.constant 20 : i32
        %add3A_356 = vector.broadcast %add3A_355 : i32 to vector<16xi32>
        %add3A_357 = arith.addi %shift_left3A_47, %add3A_356 : vector<16xi32>
        %gather3A_358 = tpu.vector_load_idx %arg13[%add3A_41, %add3A_357] : memref<256x128xf32, #tpu.memory_space<vmem>>[vector<16xi32>, vector<16xi32>], vector<16xf32>,
        %add3A_359 = arith.constant 20 : i32
        %add3A_360 = vector.broadcast %add3A_359 : i32 to vector<16xi32>
        %add3A_361 = arith.addi %shift_left3A_55, %add3A_360 : vector<16xi32>
        %gather3A_362 = tpu.vector_load_idx %arg14[%add3A_41, %add3A_361] : memref<256x128xf32, #tpu.memory_space<vmem>>[vector<16xi32>, vector<16xi32>], vector<16xf32>,
        %get3A_363 = arith.constant 20 : i32
        %get3A_364 = arith.index_cast %get3A_363 : i32 to index
        %get3A_365 = arith.constant 0 : index
        %get3A_366 = tpu.vector_load %arg15[%get3A_364, %get3A_365] {strides = array<i32>} : memref<32x16xf32, #tpu.memory_space<vmem>>, vector<16xf32>,
        %mul3A_367 = arith.mulf %gather3A_358, %gather3A_362 : vector<16xf32>
        %mul3A_368 = arith.mulf %get3A_366, %mul3A_367 : vector<16xf32>
        %add3A_369 = arith.addf %add3A_354, %mul3A_368 : vector<16xf32>
        %add3A_370 = arith.constant 21 : i32
        %add3A_371 = vector.broadcast %add3A_370 : i32 to vector<16xi32>
        %add3A_372 = arith.addi %shift_left3A_47, %add3A_371 : vector<16xi32>
        %gather3A_373 = tpu.vector_load_idx %arg13[%add3A_41, %add3A_372] : memref<256x128xf32, #tpu.memory_space<vmem>>[vector<16xi32>, vector<16xi32>], vector<16xf32>,
        %add3A_374 = arith.constant 21 : i32
        %add3A_375 = vector.broadcast %add3A_374 : i32 to vector<16xi32>
        %add3A_376 = arith.addi %shift_left3A_55, %add3A_375 : vector<16xi32>
        %gather3A_377 = tpu.vector_load_idx %arg14[%add3A_41, %add3A_376] : memref<256x128xf32, #tpu.memory_space<vmem>>[vector<16xi32>, vector<16xi32>], vector<16xf32>,
        %get3A_378 = arith.constant 21 : i32
        %get3A_379 = arith.index_cast %get3A_378 : i32 to index
        %get3A_380 = arith.constant 0 : index
        %get3A_381 = tpu.vector_load %arg15[%get3A_379, %get3A_380] {strides = array<i32>} : memref<32x16xf32, #tpu.memory_space<vmem>>, vector<16xf32>,
        %mul3A_382 = arith.mulf %gather3A_373, %gather3A_377 : vector<16xf32>
        %mul3A_383 = arith.mulf %get3A_381, %mul3A_382 : vector<16xf32>
        %add3A_384 = arith.addf %add3A_369, %mul3A_383 : vector<16xf32>
        %add3A_385 = arith.constant 22 : i32
        %add3A_386 = vector.broadcast %add3A_385 : i32 to vector<16xi32>
        %add3A_387 = arith.addi %shift_left3A_47, %add3A_386 : vector<16xi32>
        %gather3A_388 = tpu.vector_load_idx %arg13[%add3A_41, %add3A_387] : memref<256x128xf32, #tpu.memory_space<vmem>>[vector<16xi32>, vector<16xi32>], vector<16xf32>,
        %add3A_389 = arith.constant 22 : i32
        %add3A_390 = vector.broadcast %add3A_389 : i32 to vector<16xi32>
        %add3A_391 = arith.addi %shift_left3A_55, %add3A_390 : vector<16xi32>
        %gather3A_392 = tpu.vector_load_idx %arg14[%add3A_41, %add3A_391] : memref<256x128xf32, #tpu.memory_space<vmem>>[vector<16xi32>, vector<16xi32>], vector<16xf32>,
        %get3A_393 = arith.constant 22 : i32
        %get3A_394 = arith.index_cast %get3A_393 : i32 to index
        %get3A_395 = arith.constant 0 : index
        %get3A_396 = tpu.vector_load %arg15[%get3A_394, %get3A_395] {strides = array<i32>} : memref<32x16xf32, #tpu.memory_space<vmem>>, vector<16xf32>,
        %mul3A_397 = arith.mulf %gather3A_388, %gather3A_392 : vector<16xf32>
        %mul3A_398 = arith.mulf %get3A_396, %mul3A_397 : vector<16xf32>
        %add3A_399 = arith.addf %add3A_384, %mul3A_398 : vector<16xf32>
        %add3A_400 = arith.constant 23 : i32
        %add3A_401 = vector.broadcast %add3A_400 : i32 to vector<16xi32>
        %add3A_402 = arith.addi %shift_left3A_47, %add3A_401 : vector<16xi32>
        %gather3A_403 = tpu.vector_load_idx %arg13[%add3A_41, %add3A_402] : memref<256x128xf32, #tpu.memory_space<vmem>>[vector<16xi32>, vector<16xi32>], vector<16xf32>,
        %add3A_404 = arith.constant 23 : i32
        %add3A_405 = vector.broadcast %add3A_404 : i32 to vector<16xi32>
        %add3A_406 = arith.addi %shift_left3A_55, %add3A_405 : vector<16xi32>
        %gather3A_407 = tpu.vector_load_idx %arg14[%add3A_41, %add3A_406] : memref<256x128xf32, #tpu.memory_space<vmem>>[vector<16xi32>, vector<16xi32>], vector<16xf32>,
        %get3A_408 = arith.constant 23 : i32
        %get3A_409 = arith.index_cast %get3A_408 : i32 to index
        %get3A_410 = arith.constant 0 : index
        %get3A_411 = tpu.vector_load %arg15[%get3A_409, %get3A_410] {strides = array<i32>} : memref<32x16xf32, #tpu.memory_space<vmem>>, vector<16xf32>,
        %mul3A_412 = arith.mulf %gather3A_403, %gather3A_407 : vector<16xf32>
        %mul3A_413 = arith.mulf %get3A_411, %mul3A_412 : vector<16xf32>
        %add3A_414 = arith.addf %add3A_399, %mul3A_413 : vector<16xf32>
        %add3A_415 = arith.constant 24 : i32
        %add3A_416 = vector.broadcast %add3A_415 : i32 to vector<16xi32>
        %add3A_417 = arith.addi %shift_left3A_47, %add3A_416 : vector<16xi32>
        %gather3A_418 = tpu.vector_load_idx %arg13[%add3A_41, %add3A_417] : memref<256x128xf32, #tpu.memory_space<vmem>>[vector<16xi32>, vector<16xi32>], vector<16xf32>,
        %add3A_419 = arith.constant 24 : i32
        %add3A_420 = vector.broadcast %add3A_419 : i32 to vector<16xi32>
        %add3A_421 = arith.addi %shift_left3A_55, %add3A_420 : vector<16xi32>
        %gather3A_422 = tpu.vector_load_idx %arg14[%add3A_41, %add3A_421] : memref<256x128xf32, #tpu.memory_space<vmem>>[vector<16xi32>, vector<16xi32>], vector<16xf32>,
        %get3A_423 = arith.constant 24 : i32
        %get3A_424 = arith.index_cast %get3A_423 : i32 to index
        %get3A_425 = arith.constant 0 : index
        %get3A_426 = tpu.vector_load %arg15[%get3A_424, %get3A_425] {strides = array<i32>} : memref<32x16xf32, #tpu.memory_space<vmem>>, vector<16xf32>,
        %mul3A_427 = arith.mulf %gather3A_418, %gather3A_422 : vector<16xf32>
        %mul3A_428 = arith.mulf %get3A_426, %mul3A_427 : vector<16xf32>
        %add3A_429 = arith.addf %add3A_414, %mul3A_428 : vector<16xf32>
        %add3A_430 = arith.constant 25 : i32
        %add3A_431 = vector.broadcast %add3A_430 : i32 to vector<16xi32>
        %add3A_432 = arith.addi %shift_left3A_47, %add3A_431 : vector<16xi32>
        %gather3A_433 = tpu.vector_load_idx %arg13[%add3A_41, %add3A_432] : memref<256x128xf32, #tpu.memory_space<vmem>>[vector<16xi32>, vector<16xi32>], vector<16xf32>,
        %add3A_434 = arith.constant 25 : i32
        %add3A_435 = vector.broadcast %add3A_434 : i32 to vector<16xi32>
        %add3A_436 = arith.addi %shift_left3A_55, %add3A_435 : vector<16xi32>
        %gather3A_437 = tpu.vector_load_idx %arg14[%add3A_41, %add3A_436] : memref<256x128xf32, #tpu.memory_space<vmem>>[vector<16xi32>, vector<16xi32>], vector<16xf32>,
        %get3A_438 = arith.constant 25 : i32
        %get3A_439 = arith.index_cast %get3A_438 : i32 to index
        %get3A_440 = arith.constant 0 : index
        %get3A_441 = tpu.vector_load %arg15[%get3A_439, %get3A_440] {strides = array<i32>} : memref<32x16xf32, #tpu.memory_space<vmem>>, vector<16xf32>,
        %mul3A_442 = arith.mulf %gather3A_433, %gather3A_437 : vector<16xf32>
        %mul3A_443 = arith.mulf %get3A_441, %mul3A_442 : vector<16xf32>
        %add3A_444 = arith.addf %add3A_429, %mul3A_443 : vector<16xf32>
        %add3A_445 = arith.constant 26 : i32
        %add3A_446 = vector.broadcast %add3A_445 : i32 to vector<16xi32>
        %add3A_447 = arith.addi %shift_left3A_47, %add3A_446 : vector<16xi32>
        %gather3A_448 = tpu.vector_load_idx %arg13[%add3A_41, %add3A_447] : memref<256x128xf32, #tpu.memory_space<vmem>>[vector<16xi32>, vector<16xi32>], vector<16xf32>,
        %add3A_449 = arith.constant 26 : i32
        %add3A_450 = vector.broadcast %add3A_449 : i32 to vector<16xi32>
        %add3A_451 = arith.addi %shift_left3A_55, %add3A_450 : vector<16xi32>
        %gather3A_452 = tpu.vector_load_idx %arg14[%add3A_41, %add3A_451] : memref<256x128xf32, #tpu.memory_space<vmem>>[vector<16xi32>, vector<16xi32>], vector<16xf32>,
        %get3A_453 = arith.constant 26 : i32
        %get3A_454 = arith.index_cast %get3A_453 : i32 to index
        %get3A_455 = arith.constant 0 : index
        %get3A_456 = tpu.vector_load %arg15[%get3A_454, %get3A_455] {strides = array<i32>} : memref<32x16xf32, #tpu.memory_space<vmem>>, vector<16xf32>,
        %mul3A_457 = arith.mulf %gather3A_448, %gather3A_452 : vector<16xf32>
        %mul3A_458 = arith.mulf %get3A_456, %mul3A_457 : vector<16xf32>
        %add3A_459 = arith.addf %add3A_444, %mul3A_458 : vector<16xf32>
        %add3A_460 = arith.constant 27 : i32
        %add3A_461 = vector.broadcast %add3A_460 : i32 to vector<16xi32>
        %add3A_462 = arith.addi %shift_left3A_47, %add3A_461 : vector<16xi32>
        %gather3A_463 = tpu.vector_load_idx %arg13[%add3A_41, %add3A_462] : memref<256x128xf32, #tpu.memory_space<vmem>>[vector<16xi32>, vector<16xi32>], vector<16xf32>,
        %add3A_464 = arith.constant 27 : i32
        %add3A_465 = vector.broadcast %add3A_464 : i32 to vector<16xi32>
        %add3A_466 = arith.addi %shift_left3A_55, %add3A_465 : vector<16xi32>
        %gather3A_467 = tpu.vector_load_idx %arg14[%add3A_41, %add3A_466] : memref<256x128xf32, #tpu.memory_space<vmem>>[vector<16xi32>, vector<16xi32>], vector<16xf32>,
        %get3A_468 = arith.constant 27 : i32
        %get3A_469 = arith.index_cast %get3A_468 : i32 to index
        %get3A_470 = arith.constant 0 : index
        %get3A_471 = tpu.vector_load %arg15[%get3A_469, %get3A_470] {strides = array<i32>} : memref<32x16xf32, #tpu.memory_space<vmem>>, vector<16xf32>,
        %mul3A_472 = arith.mulf %gather3A_463, %gather3A_467 : vector<16xf32>
        %mul3A_473 = arith.mulf %get3A_471, %mul3A_472 : vector<16xf32>
        %add3A_474 = arith.addf %add3A_459, %mul3A_473 : vector<16xf32>
        %add3A_475 = arith.constant 28 : i32
        %add3A_476 = vector.broadcast %add3A_475 : i32 to vector<16xi32>
        %add3A_477 = arith.addi %shift_left3A_47, %add3A_476 : vector<16xi32>
        %gather3A_478 = tpu.vector_load_idx %arg13[%add3A_41, %add3A_477] : memref<256x128xf32, #tpu.memory_space<vmem>>[vector<16xi32>, vector<16xi32>], vector<16xf32>,
        %add3A_479 = arith.constant 28 : i32
        %add3A_480 = vector.broadcast %add3A_479 : i32 to vector<16xi32>
        %add3A_481 = arith.addi %shift_left3A_55, %add3A_480 : vector<16xi32>
        %gather3A_482 = tpu.vector_load_idx %arg14[%add3A_41, %add3A_481] : memref<256x128xf32, #tpu.memory_space<vmem>>[vector<16xi32>, vector<16xi32>], vector<16xf32>,
        %get3A_483 = arith.constant 28 : i32
        %get3A_484 = arith.index_cast %get3A_483 : i32 to index
        %get3A_485 = arith.constant 0 : index
        %get3A_486 = tpu.vector_load %arg15[%get3A_484, %get3A_485] {strides = array<i32>} : memref<32x16xf32, #tpu.memory_space<vmem>>, vector<16xf32>,
        %mul3A_487 = arith.mulf %gather3A_478, %gather3A_482 : vector<16xf32>
        %mul3A_488 = arith.mulf %get3A_486, %mul3A_487 : vector<16xf32>
        %add3A_489 = arith.addf %add3A_474, %mul3A_488 : vector<16xf32>
        %add3A_490 = arith.constant 29 : i32
        %add3A_491 = vector.broadcast %add3A_490 : i32 to vector<16xi32>
        %add3A_492 = arith.addi %shift_left3A_47, %add3A_491 : vector<16xi32>
        %gather3A_493 = tpu.vector_load_idx %arg13[%add3A_41, %add3A_492] : memref<256x128xf32, #tpu.memory_space<vmem>>[vector<16xi32>, vector<16xi32>], vector<16xf32>,
        %add3A_494 = arith.constant 29 : i32
        %add3A_495 = vector.broadcast %add3A_494 : i32 to vector<16xi32>
        %add3A_496 = arith.addi %shift_left3A_55, %add3A_495 : vector<16xi32>
        %gather3A_497 = tpu.vector_load_idx %arg14[%add3A_41, %add3A_496] : memref<256x128xf32, #tpu.memory_space<vmem>>[vector<16xi32>, vector<16xi32>], vector<16xf32>,
        %get3A_498 = arith.constant 29 : i32
        %get3A_499 = arith.index_cast %get3A_498 : i32 to index
        %get3A_500 = arith.constant 0 : index
        %get3A_501 = tpu.vector_load %arg15[%get3A_499, %get3A_500] {strides = array<i32>} : memref<32x16xf32, #tpu.memory_space<vmem>>, vector<16xf32>,
        %mul3A_502 = arith.mulf %gather3A_493, %gather3A_497 : vector<16xf32>
        %mul3A_503 = arith.mulf %get3A_501, %mul3A_502 : vector<16xf32>
        %add3A_504 = arith.addf %add3A_489, %mul3A_503 : vector<16xf32>
        %add3A_505 = arith.constant 30 : i32
        %add3A_506 = vector.broadcast %add3A_505 : i32 to vector<16xi32>
        %add3A_507 = arith.addi %shift_left3A_47, %add3A_506 : vector<16xi32>
        %gather3A_508 = tpu.vector_load_idx %arg13[%add3A_41, %add3A_507] : memref<256x128xf32, #tpu.memory_space<vmem>>[vector<16xi32>, vector<16xi32>], vector<16xf32>,
        %add3A_509 = arith.constant 30 : i32
        %add3A_510 = vector.broadcast %add3A_509 : i32 to vector<16xi32>
        %add3A_511 = arith.addi %shift_left3A_55, %add3A_510 : vector<16xi32>
        %gather3A_512 = tpu.vector_load_idx %arg14[%add3A_41, %add3A_511] : memref<256x128xf32, #tpu.memory_space<vmem>>[vector<16xi32>, vector<16xi32>], vector<16xf32>,
        %get3A_513 = arith.constant 30 : i32
        %get3A_514 = arith.index_cast %get3A_513 : i32 to index
        %get3A_515 = arith.constant 0 : index
        %get3A_516 = tpu.vector_load %arg15[%get3A_514, %get3A_515] {strides = array<i32>} : memref<32x16xf32, #tpu.memory_space<vmem>>, vector<16xf32>,
        %mul3A_517 = arith.mulf %gather3A_508, %gather3A_512 : vector<16xf32>
        %mul3A_518 = arith.mulf %get3A_516, %mul3A_517 : vector<16xf32>
        %add3A_519 = arith.addf %add3A_504, %mul3A_518 : vector<16xf32>
        %add3A_520 = arith.constant 31 : i32
        %add3A_521 = vector.broadcast %add3A_520 : i32 to vector<16xi32>
        %add3A_522 = arith.addi %shift_left3A_47, %add3A_521 : vector<16xi32>
        %gather3A_523 = tpu.vector_load_idx %arg13[%add3A_41, %add3A_522] : memref<256x128xf32, #tpu.memory_space<vmem>>[vector<16xi32>, vector<16xi32>], vector<16xf32>,
        %add3A_524 = arith.constant 31 : i32
        %add3A_525 = vector.broadcast %add3A_524 : i32 to vector<16xi32>
        %add3A_526 = arith.addi %shift_left3A_55, %add3A_525 : vector<16xi32>
        %gather3A_527 = tpu.vector_load_idx %arg14[%add3A_41, %add3A_526] : memref<256x128xf32, #tpu.memory_space<vmem>>[vector<16xi32>, vector<16xi32>], vector<16xf32>,
        %get3A_528 = arith.constant 31 : i32
        %get3A_529 = arith.index_cast %get3A_528 : i32 to index
        %get3A_530 = arith.constant 0 : index
        %get3A_531 = tpu.vector_load %arg15[%get3A_529, %get3A_530] {strides = array<i32>} : memref<32x16xf32, #tpu.memory_space<vmem>>, vector<16xf32>,
        %mul3A_532 = arith.mulf %gather3A_523, %gather3A_527 : vector<16xf32>
        %mul3A_533 = arith.mulf %get3A_531, %mul3A_532 : vector<16xf32>
        %add3A_534 = arith.addf %add3A_519, %mul3A_533 : vector<16xf32>
        %neg3A = arith.constant 0.000000e+00 : f32
        %neg3A_535 = vector.broadcast %neg3A : f32 to vector<16xf32>
        %neg3A_536 = arith.subf %neg3A_535, %add3A_534 : vector<16xf32>
        %exp3A = math.exp %neg3A_536 : vector<16xf32>
        %add3A_537 = arith.constant 1.000000e+00 : f32
        %add3A_538 = vector.broadcast %add3A_537 : f32 to vector<16xf32>
        %add3A_539 = arith.addf %add3A_538, %exp3A : vector<16xf32>
        %div3A = arith.constant 1.000000e+00 : f32
        %div3A_540 = vector.broadcast %div3A : f32 to vector<16xf32>
        %div3A_541 = arith.divf %div3A_540, %add3A_539 : vector<16xf32>
        %mul3A_542 = arith.constant 16 : i32
        %mul3A_543 = arith.muli %scan3A_34, %mul3A_542 : i32
        %add3A_544 = arith.addi %mul3A_11, %mul3A_543 : i32
        %swap3A = arith.index_cast %add3A_544 : i32 to index
        %swap3A_545 = tpu.vector_load %arg17[%swap3A] {strides = array<i32>} : memref<512xf32, #tpu.memory_space<vmem>>, vector<16xf32>,
        tpu.vector_store %arg17[%swap3A], %div3A_541 {strides = array<i32>} : memref<512xf32, #tpu.memory_space<vmem>>, vector<16xf32>,
      }
      %scan3A_33 = arith.constant 16 : i32
    }
    %scan3A_8 = arith.constant 2 : i32
    "tpu.region"() ({
      %run_scoped3A = tpu.sem_alloc : memref<!tpu.dma_semaphore, #tpu.memory_space<semaphore_mem>>
      %dma_start3A = tpu.memref_slice %arg8[%mul3A_2] : memref<16384xf32, #tpu.memory_space<hbm>> -> memref<512xf32, #tpu.memory_space<hbm>>
      %dma_start3A_9 = tpu.memref_slice %arg8[%mul3A_2] : memref<16384xf32, #tpu.memory_space<hbm>> -> memref<512xf32, #tpu.memory_space<hbm>>
      tpu.enqueue_dma source(%arg17 : memref<512xf32, #tpu.memory_space<vmem>>) target(%dma_start3A_9 : memref<512xf32, #tpu.memory_space<hbm>>) target_semaphore(%run_scoped3A : memref<!tpu.dma_semaphore, #tpu.memory_space<semaphore_mem>>)
      %dma_wait3A = tpu.memref_slice %arg8[%mul3A_2] : memref<16384xf32, #tpu.memory_space<hbm>> -> memref<512xf32, #tpu.memory_space<hbm>>
      %dma_wait3A_10 = tpu.memref_slice %arg8[%mul3A_2] : memref<16384xf32, #tpu.memory_space<hbm>> -> memref<512xf32, #tpu.memory_space<hbm>>
      tpu.wait_dma2 semaphore(%run_scoped3A : memref<!tpu.dma_semaphore, #tpu.memory_space<semaphore_mem>>) src(%arg17 : memref<512xf32, #tpu.memory_space<vmem>>) dst(%dma_wait3A_10 : memref<512xf32, #tpu.memory_space<hbm>>)
      tpu.yield
    }) : () -> ()
    return
  }
}

</mosaic_0001>

<sc_bundles>
// kernel: _gmf.3.cloned.1.call-start
scs
__scs_entry_jumppad:
0x0: {  	(pc) =	sbr.rel $0x88, $3  }
0x1: {  	(tag) =	ssettag $0x0;
	lr =	simm.s32 $0x1  }
0x2: {  	[smem:$0x3F9B] =	sst lr;
	_ =	strace $0xD0000000  }
0x3: {  	_ = 	snop  }
0x4: {  	_ = 	snop  }
0x5: {  	_ = 	snop  }
0x6: {  	_ = 	snop  }
0x7: {  	_ = 	snop  }
__scs_overlays_trampoline_lowered:
0x8: {  	[smem:$0x3FAA] =	sst s0  }
0x9: {  	[smem:$0x3FAB] =	sst s1  }
0xa: {  	[smem:$0x3FAC] =	sst s2  }
0xb: {  	[smem:$0x3FAD] =	sst s3  }
0xc: {  	[smem:$0x3FAE] =	sst s4  }
0xd: {  	[smem:$0x3FAF] =	sst s5  }
0xe: {  	[smem:$0x3FB0] =	sst s6  }
0xf: {  	[smem:$0x3FB1] =	sst s7  }
0x10: {  	[smem:$0x3FB2] =	sst s8  }
0x11: {  	[smem:$0x3FB3] =	sst s9;
	s0 =	simm.s32 @!p0 $0x0  }
0x12: {  	s1 =	sld [smem:$0x3F99];
	s0 =	simm.s32 @p0 $0x1  }
0x13: {  	[smem:$0x3FB4] =	sst s0;
	s0 =	simm.s32 @!p1 $0x0  }
0x14: {  	s2 =	sld [smem:$0x3F98];
	s0 =	simm.s32 @p1 $0x1  }
0x15: {  	[smem:$0x3FB5] =	sst s0;
	s0 =	simm.s32 @!p2 $0x0  }
0x16: {  	s3 =	sld [smem:$0x3FDB];
	s0 =	simm.s32 @p2 $0x1  }
0x17: {  	s4 =	simm.s32 $0x1BF5;
	[smem:$0x3FB7] =	sst s0  }
0x18: {  	s0 =	sld [smem:$0x3F9A];
	_ =	swait.ge [sflag:s4], $0x0  }
0x19: {  	s7 =	sld [smem:$0x3F9B]  }
0x1a: {  	s8 =	sadd.s32 $0xFFFFE003, lr  }
0x1b: {  	s9 =	sadd.s32 $0xFFFFFEF7, lr;
	s5 =	simm.s32 $0xFFFFFFFF;
	p2 =	slt.u32 s8, $0xFFFFF086  }
0x1c: {  	p1 =	slt.u32 s9, $0xF7A;
	s5 =	simm.s32 @!p2 $0x0  }
0x1d: {  	s5 =	simm.s32 @p1 $0x1;
	p0 =	seq.s32 s7, s2  }
0x1e: {  	s7 =	smul.u32 @!p0 $0xF7A, s2;
	p2 =	seq.s32 @!p0 s5, $0x0  }
0x1f: {  	s9 =	smul.u32 $0xF7A, s1;
	s8 =	simm.s32 @!p0 $0x1BF5;
	p2 =	por !p2, p0  }
0x20: {  	[sflag:s8] =	ssyncset.s32 @!p0 $0xFFFFF086;
	s6 =	sadd.s32 @!p0 s3, s7;
	s7 =	simm.s32 @!p0 $0x108  }
0x21: {  	s3 =	sadd.s32 s3, s9;
	s6 =	sadd.s32 @!p0 $0x88, s6;
	s7 =	simm.s32 @p2 $0x1082  }
0x22: {  	[simem:s7], [sflag:s8] =	dma.local @!p0 [hbm:s6], $0xF7A  }
0x23: {  	s9 =	sor.u32 $0xD0000000, s2;
	s6 =	simm.s32 $0x108;
	_ =	swait.ge @!p0 [sflag:s8], $0x0  }
0x24: {  	s3 =	sadd.s32 $0x88, s3;
	s6 =	simm.s32 @!p1 $0x1082;
	[sflag:s4] =	ssyncset.s32 $0xFFFFF086  }
0x25: {  	[simem:s6], [sflag:s4] =	dma.local [hbm:s3], $0xF7A  }
0x26: {  	[smem:$0x3F9B] =	sst s1;
	(tag) =	ssettag s2;
	_ =	strace s9  }
0x27: {  	s1 =	sld [smem:$0x3FAB]  }
0x28: {  	s2 =	sld [smem:$0x3FAC]  }
0x29: {  	s4 =	sld [smem:$0x3FAE]  }
0x2a: {  	p0 =	seq.s32 s5, $0x0;
	s5 =	sld [smem:$0x3FAF]  }
0x2b: {  	s6 =	sld [smem:$0x3FB0]  }
0x2c: {  	s7 =	sld [smem:$0x3FB1]  }
0x2d: {  	s3 =	simm.s32 $0x108;
	s8 =	sld [smem:$0x3FB2]  }
0x2e: {  	s3 =	simm.s32 @!p0 $0x1082;
	s9 =	sld [smem:$0x3FB3]  }
0x2f: {  	lr =	sadd.s32 s0, s3;
	s0 =	sld [smem:$0x3FAA]  }
0x30: {  	s3 =	sld [smem:$0x3FAD]  }
0x31: {  	[smem:$0x3FB6] =	sst s10  }
0x32: {  	s10 =	sld [smem:$0x3FB4];
	_ =	sdelay $0x3  }
0x33: {  	p0 =	seq.s32 s10, $0x1;
	s10 =	sld [smem:$0x3FB6];
	_ =	sdelay $0x3  }
0x34: {  	[smem:$0x3FB6] =	sst s10  }
0x35: {  	s10 =	sld [smem:$0x3FB5];
	_ =	sdelay $0x3  }
0x36: {  	p1 =	seq.s32 s10, $0x1;
	s10 =	sld [smem:$0x3FB6];
	_ =	sdelay $0x3  }
0x37: {  	[smem:$0x3FB6] =	sst s10  }
0x38: {  	s10 =	sld [smem:$0x3FB7]  }
0x39: {  	_ = 	snop;
	(pc) =	sbr.ind lr, $3  }
0x3a: {  	_ = 	snop  }
0x3b: {  	_ = 	snop  }
0x3c: {  	p2 =	seq.s32 s10, $0x1;
	s10 =	sld [smem:$0x3FB6]  }
0x3d: {  	_ =	shalt  }
0x3e: {  	_ =	shalt  }
0x3f: {  	_ =	shalt  }
0x40: {  	_ =	shalt  }
0x41: {  	_ =	shalt  }
0x42: {  	_ =	shalt  }
0x43: {  	_ =	shalt  }
0x44: {  	_ =	shalt  }
0x45: {  	_ =	shalt  }
0x46: {  	_ =	shalt  }
0x47: {  	_ =	shalt  }
0x48: {  	_ =	shalt  }
0x49: {  	_ =	shalt  }
0x4a: {  	_ =	shalt  }
0x4b: {  	_ =	shalt  }
0x4c: {  	_ =	shalt  }
0x4d: {  	_ =	shalt  }
0x4e: {  	_ =	shalt  }
0x4f: {  	_ =	shalt  }
0x50: {  	_ =	shalt  }
0x51: {  	_ =	shalt  }
0x52: {  	_ =	shalt  }
0x53: {  	_ =	shalt  }
0x54: {  	_ =	shalt  }
0x55: {  	_ =	shalt  }
0x56: {  	_ =	shalt  }
0x57: {  	_ =	shalt  }
0x58: {  	_ =	shalt  }
0x59: {  	_ =	shalt  }
0x5a: {  	_ =	shalt  }
0x5b: {  	_ =	shalt  }
0x5c: {  	_ =	shalt  }
0x5d: {  	_ =	shalt  }
0x5e: {  	_ =	shalt  }
0x5f: {  	_ =	shalt  }
0x60: {  	_ =	shalt  }
0x61: {  	_ =	shalt  }
0x62: {  	_ =	shalt  }
0x63: {  	_ =	shalt  }
0x64: {  	_ =	shalt  }
0x65: {  	_ =	shalt  }
0x66: {  	_ =	shalt  }
0x67: {  	_ =	shalt  }
0x68: {  	_ =	shalt  }
0x69: {  	_ =	shalt  }
0x6a: {  	_ =	shalt  }
0x6b: {  	_ =	shalt  }
0x6c: {  	_ =	shalt  }
0x6d: {  	_ =	shalt  }
0x6e: {  	_ =	shalt  }
0x6f: {  	_ =	shalt  }
0x70: {  	_ =	shalt  }
0x71: {  	_ =	shalt  }
0x72: {  	_ =	shalt  }
0x73: {  	_ =	shalt  }
0x74: {  	_ =	shalt  }
0x75: {  	_ =	shalt  }
0x76: {  	_ =	shalt  }
0x77: {  	_ =	shalt  }
0x78: {  	_ =	shalt  }
0x79: {  	_ =	shalt  }
0x7a: {  	_ =	shalt  }
0x7b: {  	_ =	shalt  }
0x7c: {  	_ =	shalt  }
0x7d: {  	_ =	shalt  }
0x7e: {  	_ =	shalt  }
0x7f: {  	_ =	shalt  }
0x80: {  	_ =	shalt  }
0x81: {  	_ =	shalt  }
0x82: {  	_ =	shalt  }
0x83: {  	_ =	shalt  }
0x84: {  	_ =	shalt  }
0x85: {  	_ =	shalt  }
0x86: {  	_ =	shalt  }
0x87: {  	_ =	shalt  }
.Lfunc_end0:
.L_simem_size_0:
called_computation_lowered:
.L_overlay_start_0:
0x88: {  	s2 =	sld [smem:$0x3FD9]  }
0x89: {  	s3 =	sld [smem:$0x3FFE];
	_ =	sdelay $0x1  }
0x8a: {  	s1 =	srdreg.scid  }
0x8b: {  	s0 =	sand.u32 $0x1, s1  }
0x8c: {  	s17 =	sshll.u32 s0, $0xA;
	s2 =	sadd.s32 s3, s2  }
0x8d: {  	s2 =	sadd.s32 s2, s17  }
0x8e: {  	[smem:$0x3FC2] =	sst s2  }
0x8f: {  	_ = 	snop  }
0x90: {  	s2 =	sld [smem:$0x3FC9]  }
0x91: {  	s18 =	sld [smem:$0x3FC8]  }
0x92: {  	s4 =	sld [smem:$0x3FC7]  }
0x93: {  	s5 =	sld [smem:$0x3FC6]  }
0x94: {  	s6 =	sld [smem:$0x3FC4]  }
0x95: {  	s7 =	sld [smem:$0x3FD0];
	(tm) =	ssettm $0x1  }
0x96: {  	s8 =	sld [smem:$0x3FFB];
	_ =	sdelay $0x3  }
0x97: {  	_ =	strace s8  }
0x98: {  	s8 =	sld [smem:$0x3FFC];
	_ =	sdelay $0x3  }
0x99: {  	_ =	strace s8  }
0x9a: {  	s8 =	sld [smem:$0x3FFD];
	_ =	sdelay $0x3  }
0x9b: {  	_ =	strace s8  }
0x9c: {  	_ =	strace $0x8FFFFFFF  }
0x9d: {  	s19 =	sld [smem:$0x3FDB];
	_ =	sdelay $0x1  }
0x9e: {  	s9 =	simm.s32 $_scs_section_size  }
0x9f: {  	s10 =	simm.s32 $_size__tile_overlayer_lowered;
	s11 =	simm.s32 $_tile_overlayer_lowered  }
0xa0: {  	s22 =	simm.s32 $0x1BFF;
	s21 =	sshll.u32 s11, $0x1;
	s8 =	sadd.s32 s9, s19  }
0xa1: {  	s12 =	simm.s32 $0x0;
	s20 =	sshll.u32 s10, $0x1;
	s10 =	sadd.s32 s21, s8  }
0xa2: {  	[timem:s12], [sflag:s22] =	dma.local [hbm:s10], s20  }
0xa3: {  	_ =	swait.ge [sflag:s22], s20  }
0xa4: {  	s9 =	ssub.s32 $0x0, s20;
	[sflag:s22] =	ssyncset.done $0x0  }
0xa5: {  	[sflag:s22] =	ssyncadd.s32 s9;
	_ =	sdelay $0x1  }
0xa6: {  	s23 =	simm.s32 $0x1B8B  }
0xa7: {  	_ =	swait.ge [sflag:s23], $0x1  }
0xa8: {  	[sflag:s23] =	ssyncset.done $0x0  }
0xa9: {  	s25 =	simm.s32 $0x1B8E;
	s24 =	sld [smem:$0x3FFE];
	[sflag:s23] =	ssyncadd.s32 $0xFFFFFFFF  }
0xaa: {  	s26 =	simm.s32 $execute0_lowered;
	[smem:$0x3FD2] =	sst s25  }
0xab: {  	s10 =	sshll.u32 s26, $0x1;
	_ =	strace $0x80000046;
	[dreg:$0x1] =	wrdreg $0xFFFFFFFF  }
0xac: {  	s28 =	simm.s32 $_size_execute0_lowered;
	s8 =	sadd.s32 s8, s10;
	[dreg:$0x0] =	wrdreg $0x0  }
0xad: {  	s10 =	sshll.u32 s28, $0x1;
	[dreg:$0x2] =	wrdreg s8  }
0xae: {  	[dreg:$0x3] =	wrdreg s10  }
0xaf: {  	[dreg:$0x4] =	wrdreg $0xC0  }
0xb0: {  	_ =	task [dreg:s12], $0x5FFFF  }
0xb1: {  	[dreg:$0x1] =	wrdreg $0xFFFFFFFF  }
0xb2: {  	[dreg:$0x0] =	wrdreg $0x60  }
0xb3: {  	[dreg:$0x2] =	wrdreg s2  }
0xb4: {  	[dreg:$0x3] =	wrdreg s18  }
0xb5: {  	[dreg:$0x4] =	wrdreg s4  }
0xb6: {  	[dreg:$0x5] =	wrdreg s5  }
0xb7: {  	[dreg:$0x6] =	wrdreg s24  }
0xb8: {  	[dreg:$0x7] =	wrdreg s6  }
0xb9: {  	[dreg:$0x8] =	wrdreg s7  }
0xba: {  	[dreg:$0x9] =	wrdreg $0x9  }
0xbb: {  	_ =	task.clear_ibuf [dreg:s12], $0xAFFFF;
	_ =	strace $0x90000046  }
0xbc: {  	s29 =	simm.s32 $0x9;
	_ =	strace $0x80000048  }
0xbd: {  	_ =	swait.ge [sflag:s29], $0x1  }
0xbe: {  	[sflag:s29] =	ssyncadd.s32 $0xFFFFFFFF  }
0xbf: {  	_ =	strace $0x90000048  }
0xc0: {  	_ =	sfence  }
0xc1: {  	s30 =	sld [smem:$0x0];
	_ =	sdelay $0x2  }
0xc2: {  	s31 =	sshll.u32 s1, $0xD;
	s1 =	sshrl.u32 s1, $0x2  }
0xc3: {  	s3 =	sand.u32 $0x4000, s31;
	s1 =	sadd.s32 s1, s30  }
0xc4: {  	s0 =	sor.u32 s3, s0;
	s1 =	sshll.u32 s1, $0x11  }
0xc5: {  	s0 =	sor.u32 s1, s0  }
0xc6: {  	s0 =	sadd.s32 $0x8F2B, s0  }
0xc7: {  	[sflag:s0] =	ssyncadd.remote.s32 $0x1  }
0xc8: {  	_ =	sfence.sel $0xFFFF  }
0xc9: {  	[dreg:$0x0] =	wrdreg $0xFFFFFFFF;
	(pc) =	sbr.abs _section_cstart, $3  }
0xca: {  	[dreg:$0x1] =	wrdreg $0xFFFFFFFF  }
0xcb: {  	_ =	task.clear_ibuf [dreg:s12], $0x2FFFF;
	_ =	strace $0x9FFFFFFF  }
0xcc: {  	(tm) =	ssettm $0x7FFFFFFF  }
0xcd: {  	_ =	shalt  }
tec
execute0_lowered:
.L_overlay_start_1:
0x0: {  	(tag) =	ssettag $0x1  }
0x1: {  	s7 =	rddreg [dreg:$0x0]  }
0x2: {  	s8 =	rddreg [dreg:$0x1]  }
0x3: {  	s1 =	rddreg [dreg:$0x2]  }
0x4: {  	s2 =	rddreg [dreg:$0x3]  }
0x5: {  	s6 =	rddreg [dreg:$0x4]  }
0x6: {  	s3 =	rddreg [dreg:$0x5]  }
0x7: {  	s9 =	rddreg [dreg:$0x6]  }
0x8: {  	s0 =	rddreg [dreg:$0x7];
	s5 =	simm.s32 $0x0;
	s10 =	srdreg.scid  }
0x9: {  	s4 =	stileid.u32;
	s14 =	simm.s32 $0x11600;
	s15 =	simm.s32 $0x100  }
0xa: {  	s16 =	simm.s32 $0x400;
	s17 =	simm.s32 $0x600;
	s18 =	simm.s32 $0x500  }
0xb: {  	s19 =	simm.s32 $0x8600;
	s20 =	simm.s32 $0x1;
	s21 =	simm.s32 $0x11680  }
0xc: {  	s22 =	simm.s32 $0x0;
	[smem:$0x7FF] =	sst s5;
	s10 =	sand.u32 $0x1, s10  }
0xd: {  	s12 =	sshll.u32 s4, $0x7;
	s6 =	sadd.s32 $0x400, s6;
	s11 =	ssub.s32 $0x2, s10  }
0xe: {  	s10 =	sshll.u32 s10, $0x6;
	_ =	strace $0x80000047;
	s13 =	sshrl.u32 s11, $0x1  }
0xf: {  	s10 =	sor.u32 s10, s12;
	s12 =	simm.s32 $0x200;
	s11 =	ssub.s32 s11, s13  }
0x10: {  	v0 =	vlaneseq.u32;
	s7 =	sadd.s32 s7, s10;
	s8 =	sadd.s32 s8, s10;
	s9 =	sadd.s32 s9, s10  }
0x11: {  	v0 =	vmul.u32 $0x80, v0;
	s13 =	simm.s32 $0x10600;
	s10 =	smax.u32 s11, $0x1;
	s11 =	simm.s32 $0x2  }
.LBB2_1:
0x12: {  	[tilespmem:s5], [sflag:$0x2] =	stream.linear.gather [hbm4b:s7+s5], $0x200, $0x38;
	[tilespmem:$0x11880] =	vst v63  }
0x13: {  	_ =	swait.ge [sflag:s11], $0x200  }
0x14: {  	[sflag:s11] =	ssyncset.done $0x0  }
0x15: {  	[sflag:s11] =	ssyncadd.s32 $0xFFFFFE00  }
0x16: {  	[tilespmem:s12], [sflag:$0x2] =	stream.linear.gather [hbm4b:s8+s5], $0x200, $0x38;
	[tilespmem:$0x11880] =	vst v63  }
0x17: {  	_ =	swait.ge [sflag:s11], $0x200  }
0x18: {  	[sflag:s11] =	ssyncset.done $0x0  }
0x19: {  	[sflag:s11] =	ssyncadd.s32 $0xFFFFFE00  }
0x1a: {  	[tilespmem:s13], [sflag:$0x2] =	stream.linear.gather [hbm4b:s6+s5], $0x1000, $0x38;
	[tilespmem:$0x11880] =	vst v63  }
0x1b: {  	_ =	swait.ge [sflag:s11], $0x1000  }
0x1c: {  	[sflag:s11] =	ssyncset.done $0x0  }
0x1d: {  	[sflag:s11] =	ssyncadd.s32 $0xFFFFF000  }
0x1e: {  	[tilespmem:s14], [sflag:$0x2] =	stream.linear.gather [hbm4b:s3+s5], $0x80, $0x38;
	[tilespmem:$0x11880] =	vst v63  }
0x1f: {  	_ =	swait.ge [sflag:s11], $0x80  }
0x20: {  	[sflag:s11] =	ssyncset.done $0x0  }
0x21: {  	[sflag:s11] =	ssyncadd.s32 $0xFFFFFF80  }
0x22: {  	p1 =	por $0x1, $0x1;
	s23 =	simm.s32 $0x0;
	v1 =	vld [tilespmem:$0x11600]  }
.LBB2_2:
0x23: {  	s23 =	sshll.u32 s23, $0x2  }
0x24: {  	s24 =	sshra.s32 s23, $0x2  }
0x25: {  	v3 =	vmov s24;
	_ =	sdelay $0x2  }
0x26: {  	s25 =	sadd.s32 $0x200, s24  }
0x27: {  	p0 =	por p1, p1;
	s26 =	simm.s32 $0x40;
	s23 =	simm.s32 $0x0;
	v2 =	vmov s25  }
.LBB2_3:
0x28: {  	p1 =	sne.s32 s26, $0x3C0;
	v4 =	vld.idx.msk [tilespmem:v3+s23+$0x0 ss:$0x1], $0xffff;
	_ =	sdelay $0x5  }
0x29: {  	v4 =	vshrl.u32 v4, $0x2  }
0x2a: {  	[tilespmem:s23+$0x400] =	vst v4  }
0x2b: {  	v4 =	vld.idx.msk [tilespmem:v2+s23+$0x0 ss:$0x1], $0xffff;
	_ =	sdelay $0x2  }
.Ltmp0:
0x2c: {  	(pc) =	sbr.rel @p1 .LBB2_3-.Ltmp0, $3  }
0x2d: {  	_ =	sdelay $0x1  }
0x2e: {  	v4 =	vshrl.u32 v4, $0x2  }
0x2f: {  	[tilespmem:s23+$0x500] =	vst v4;
	s23 =	sshra.s32 s26, $0x2;
	s26 =	sadd.s32 $0x40, s26  }
0x30: {  	_ =	sdelay $0x3  }
0x31: {  	v3 =	vld.idx.msk [tilespmem:v3+s23+$0x0 ss:$0x1], $0xffff;
	_ =	sdelay $0x4  }
0x32: {  	v3 =	vshrl.u32 v3, $0x2  }
0x33: {  	[tilespmem:s23+$0x400] =	vst v3  }
0x34: {  	v2 =	vld.idx.msk [tilespmem:v2+s23+$0x0 ss:$0x1], $0xffff;
	_ =	sdelay $0x4  }
0x35: {  	v2 =	vshrl.u32 v2, $0x2  }
0x36: {  	[tilespmem:s23+$0x500] =	vst v2  }
0x37: {  	[tilespmem:s17], [sflag:$0x1] =	stream.indirect.gather [hbm4b:s1+s15], $0x80, s16, s15, $0xb8;
	[tilespmem:$0x11880] =	vst v63  }
0x38: {  	_ = 	snop  }
0x39: {  	[tilespmem:s19], [sflag:$0x1] =	stream.indirect.gather [hbm4b:s2+s15], $0x80, s18, s15, $0xb8;
	[tilespmem:$0x11880] =	vst v63  }
0x3a: {  	_ =	swait.ge [sflag:s20], $0x8000  }
0x3b: {  	[sflag:s20] =	ssyncset.done $0x0  }
0x3c: {  	[sflag:s20] =	ssyncadd.s32 $0xFFFF8000  }
0x3d: {  	_ =	swait.ge [sflag:s20], $0x8000  }
0x3e: {  	[sflag:s20] =	ssyncset.done $0x0  }
0x3f: {  	[sflag:s20] =	ssyncadd.s32 $0xFFFF8000  }
0x40: {  	v2 =	vld [tilespmem:$0x11480]  }
0x41: {  	v3 =	vld [tilespmem:$0x11400]  }
0x42: {  	v4 =	vld [tilespmem:$0x11380]  }
0x43: {  	v5 =	vld [tilespmem:$0x11300]  }
0x44: {  	v6 =	vld [tilespmem:$0x11280]  }
0x45: {  	v7 =	vld [tilespmem:$0x11200]  }
0x46: {  	v8 =	vld [tilespmem:$0x11180]  }
0x47: {  	v9 =	vld [tilespmem:$0x11100]  }
0x48: {  	v10 =	vld [tilespmem:$0x11080]  }
0x49: {  	v12 =	vld [tilespmem:$0x11000]  }
0x4a: {  	v14 =	vld [tilespmem:$0x10F80]  }
0x4b: {  	v15 =	vld [tilespmem:$0x10F00]  }
0x4c: {  	v16 =	vld [tilespmem:$0x10E80]  }
0x4d: {  	v17 =	vld [tilespmem:$0x10E00]  }
0x4e: {  	v18 =	vld [tilespmem:$0x10D80]  }
0x4f: {  	v19 =	vld [tilespmem:$0x10D00]  }
0x50: {  	v20 =	vld [tilespmem:$0x10C80]  }
0x51: {  	v21 =	vld [tilespmem:$0x10C00]  }
0x52: {  	v22 =	vld [tilespmem:$0x10B80]  }
0x53: {  	v11 =	vld [tilespmem:s24+$0x0]  }
0x54: {  	v13 =	vld [tilespmem:s25+$0x0]  }
0x55: {  	v23 =	vld [tilespmem:$0x10B00]  }
0x56: {  	s31 =	simm.s32 $0x0;
	v25 =	vld [tilespmem:$0x10A00]  }
0x57: {  	v26 =	vmov s31;
	v27 =	vld [tilespmem:$0x10980]  }
0x58: {  	v26 =	vshll.u32 v26, $0x7;
	v28 =	vld [tilespmem:$0x10900];
	v11 =	vshll.u32 v11, $0x5  }
0x59: {  	v26 =	vor.u32 v0, v26;
	v29 =	vld [tilespmem:$0x10880];
	v13 =	vshll.u32 v13, $0x5;
	v11 =	vand.u32 $0x60, v11  }
0x5a: {  	v31 =	vld [tilespmem:$0x10800];
	v30 =	vand.u32 $0x60, v13;
	v13 =	vor.u32 v26, v11  }
0x5b: {  	v32 =	vld [tilespmem:$0x10700];
	v11 =	vor.u32 v26, v30  }
0x5c: {  	v34 =	vld [tilespmem:$0x10680];
	v57 =	vor.u32 $0x1, v13  }
0x5d: {  	v35 =	vld [tilespmem:$0x10600];
	v33 =	vor.u32 $0x1, v11  }
0x5e: {  	v26 =	vld [tilespmem:$0x10780];
	v36 =	vor.u32 $0x2, v13  }
0x5f: {  	v38 =	vor.u32 $0x2, v11;
	v37 =	vld.idx.msk [tilespmem:v13+s17+$0x0], $0xffff  }
0x60: {  	v40 =	vor.u32 $0x3, v13;
	v39 =	vld.idx.msk [tilespmem:v11+s19+$0x0], $0xffff  }
0x61: {  	v41 =	vor.u32 $0x3, v11;
	v30 =	vld.idx.msk [tilespmem:v57+s17+$0x0], $0xffff  }
0x62: {  	v42 =	vor.u32 $0x4, v13;
	v33 =	vld.idx.msk [tilespmem:v33+s19+$0x0], $0xffff  }
0x63: {  	v43 =	vor.u32 $0x4, v11;
	v36 =	vld.idx.msk [tilespmem:v36+s17+$0x0], $0xffff  }
0x64: {  	v44 =	vor.u32 $0x5, v13;
	v38 =	vld.idx.msk [tilespmem:v38+s19+$0x0], $0xffff  }
0x65: {  	v45 =	vor.u32 $0x5, v11;
	v40 =	vld.idx.msk [tilespmem:v40+s17+$0x0], $0xffff  }
0x66: {  	v59 =	vor.u32 $0x6, v13;
	v58 =	vld.idx.msk [tilespmem:v41+s19+$0x0], $0xffff  }
0x67: {  	v46 =	vor.u32 $0x6, v11;
	v42 =	vld.idx.msk [tilespmem:v42+s17+$0x0], $0xffff;
	v37 =	vmul.f32 v39, v37  }
0x68: {  	v52 =	vor.u32 $0x9, v13;
	v60 =	vld.idx.msk [tilespmem:v43+s19+$0x0], $0xffff  }
0x69: {  	v63 =	vor.u32 $0x7, v11;
	v62 =	vld.idx.msk [tilespmem:v44+s17+$0x0], $0xffff;
	v30 =	vmul.f32 v33, v30;
	v35 =	vmul.f32 v37, v35  }
0x6a: {  	v61 =	vor.u32 $0x7, v13;
	v51 =	vor.u32 $0x8, v11;
	v49 =	vld.idx.msk [tilespmem:v45+s19+$0x0], $0xffff  }
0x6b: {  	v50 =	vld.idx.msk [tilespmem:v59+s17+$0x0], $0xffff;
	v48 =	vmul.f32 v38, v36;
	v30 =	vmul.f32 v30, v34;
	v35 =	vadd.f32 v35, v1  }
0x6c: {  	v47 =	vor.u32 $0x8, v13;
	v55 =	vor.u32 $0x9, v11;
	v54 =	vld.idx.msk [tilespmem:v46+s19+$0x0], $0xffff  }
0x6d: {  	v46 =	vld.idx.msk [tilespmem:v52+s17+$0x0], $0xffff;
	v53 =	vmul.f32 v58, v40;
	v32 =	vmul.f32 v48, v32;
	v30 =	vadd.f32 v30, v35  }
0x6e: {  	v56 =	vor.u32 $0xA, v13;
	v52 =	vor.u32 $0xC, v11;
	v58 =	vld.idx.msk [tilespmem:v63+s19+$0x0], $0xffff  }
0x6f: {  	v57 =	vmul.f32 v60, v42;
	v63 =	vld.idx.msk [tilespmem:v51+s19+$0x0], $0xffff;
	v26 =	vmul.f32 v53, v26;
	v30 =	vadd.f32 v32, v30  }
0x70: {  	v59 =	vor.u32 $0xA, v11;
	v62 =	vmul.f32 v49, v62;
	v37 =	vld.idx.msk [tilespmem:v61+s17+$0x0], $0xffff  }
0x71: {  	v49 =	vmul.f32 v54, v50;
	v50 =	vld.idx.msk [tilespmem:v55+s19+$0x0], $0xffff;
	v61 =	vmul.f32 v57, v31;
	v26 =	vadd.f32 v26, v30  }
0x72: {  	v60 =	vor.u32 $0xB, v13;
	v34 =	vld.idx.msk [tilespmem:v47+s17+$0x0], $0xffff  }
0x73: {  	v51 =	vld.idx.msk [tilespmem:v56+s17+$0x0], $0xffff;
	v47 =	vor.u32 $0xB, v11;
	v29 =	vmul.f32 v62, v29;
	v26 =	vadd.f32 v61, v26  }
0x74: {  	v45 =	vld.idx.msk [tilespmem:v52+s19+$0x0], $0xffff;
	v52 =	vor.u32 $0x10, v11;
	v48 =	vor.u32 $0xC, v13  }
0x75: {  	v55 =	vld.idx.msk [tilespmem:v59+s19+$0x0], $0xffff;
	v28 =	vmul.f32 v49, v28;
	v54 =	vmul.f32 v58, v37;
	v26 =	vadd.f32 v29, v26  }
0x76: {  	v24 =	vld [tilespmem:$0x10A80];
	v53 =	vor.u32 $0xD, v13;
	v57 =	vor.u32 $0xD, v11  }
0x77: {  	v56 =	vld.idx.msk [tilespmem:v60+s17+$0x0], $0xffff;
	v59 =	vmul.f32 v63, v34;
	v27 =	vmul.f32 v54, v27;
	v26 =	vadd.f32 v28, v26  }
0x78: {  	v62 =	vor.u32 $0xE, v11;
	v44 =	vmul.f32 v50, v46;
	v60 =	vld.idx.msk [tilespmem:v47+s19+$0x0], $0xffff  }
0x79: {  	v40 =	vld.idx.msk [tilespmem:v52+s19+$0x0], $0xffff;
	v58 =	vor.u32 $0xE, v13;
	v25 =	vmul.f32 v59, v25;
	v26 =	vadd.f32 v27, v26  }
0x7a: {  	v49 =	vmul.f32 v55, v51;
	v63 =	vor.u32 $0xF, v13;
	v61 =	vld.idx.msk [tilespmem:v48+s17+$0x0], $0xffff  }
0x7b: {  	v46 =	vld.idx.msk [tilespmem:v53+s17+$0x0], $0xffff;
	v47 =	vor.u32 $0xF, v11;
	v24 =	vmul.f32 v44, v24;
	v25 =	vadd.f32 v25, v26  }
0x7c: {  	v50 =	vld.idx.msk [tilespmem:v57+s19+$0x0], $0xffff;
	v53 =	vor.u32 $0x11, v13;
	v23 =	vmul.f32 v49, v23  }
0x7d: {  	v55 =	vld.idx.msk [tilespmem:v62+s19+$0x0], $0xffff;
	v48 =	vor.u32 $0x10, v13;
	v54 =	vmul.f32 v60, v56;
	v24 =	vadd.f32 v24, v25  }
0x7e: {  	v57 =	vor.u32 $0x11, v11;
	v51 =	vld.idx.msk [tilespmem:v58+s17+$0x0], $0xffff;
	v58 =	vor.u32 $0x12, v13  }
0x7f: {  	v56 =	vld.idx.msk [tilespmem:v63+s17+$0x0], $0xffff;
	v22 =	vmul.f32 v54, v22;
	v59 =	vmul.f32 v45, v61;
	v23 =	vadd.f32 v23, v24  }
0x80: {  	v62 =	vor.u32 $0x12, v11;
	v60 =	vld.idx.msk [tilespmem:v47+s19+$0x0], $0xffff;
	v63 =	vor.u32 $0x13, v13  }
0x81: {  	v41 =	vld.idx.msk [tilespmem:v53+s17+$0x0], $0xffff;
	v21 =	vmul.f32 v59, v21;
	v22 =	vadd.f32 v22, v23;
	v23 =	vmul.f32 v50, v46  }
0x82: {  	v43 =	vor.u32 $0x14, v13;
	v42 =	vor.u32 $0x13, v11;
	v61 =	vld.idx.msk [tilespmem:v48+s17+$0x0], $0xffff  }
0x83: {  	v44 =	vld.idx.msk [tilespmem:v58+s17+$0x0], $0xffff;
	v21 =	vadd.f32 v21, v22;
	v20 =	vmul.f32 v23, v20;
	v22 =	vmul.f32 v55, v51  }
0x84: {  	v45 =	vor.u32 $0x14, v11;
	v46 =	vor.u32 $0x15, v13;
	v23 =	vld.idx.msk [tilespmem:v57+s19+$0x0], $0xffff  }
0x85: {  	v47 =	vld.idx.msk [tilespmem:v63+s17+$0x0], $0xffff;
	v20 =	vadd.f32 v20, v21;
	v19 =	vmul.f32 v22, v19;
	v21 =	vmul.f32 v60, v56  }
0x86: {  	v49 =	vor.u32 $0x16, v13;
	v48 =	vor.u32 $0x15, v11;
	v22 =	vld.idx.msk [tilespmem:v62+s19+$0x0], $0xffff  }
0x87: {  	v50 =	vld.idx.msk [tilespmem:v43+s17+$0x0], $0xffff;
	v19 =	vadd.f32 v19, v20;
	v18 =	vmul.f32 v21, v18;
	v20 =	vmul.f32 v40, v61  }
0x88: {  	v52 =	vor.u32 $0x17, v13;
	v51 =	vor.u32 $0x16, v11;
	v21 =	vld.idx.msk [tilespmem:v42+s19+$0x0], $0xffff  }
0x89: {  	v18 =	vadd.f32 v18, v19;
	v17 =	vmul.f32 v20, v17;
	v19 =	vmul.f32 v23, v41;
	v20 =	vld.idx.msk [tilespmem:v45+s19+$0x0], $0xffff  }
0x8a: {  	v53 =	vor.u32 $0x17, v11;
	v54 =	vor.u32 $0x18, v13;
	v23 =	vld.idx.msk [tilespmem:v46+s17+$0x0], $0xffff  }
0x8b: {  	v17 =	vadd.f32 v17, v18;
	v16 =	vmul.f32 v19, v16;
	v18 =	vmul.f32 v22, v44;
	v19 =	vld.idx.msk [tilespmem:v48+s19+$0x0], $0xffff  }
0x8c: {  	v55 =	vor.u32 $0x18, v11;
	v56 =	vor.u32 $0x19, v13;
	v22 =	vld.idx.msk [tilespmem:v49+s17+$0x0], $0xffff  }
0x8d: {  	v16 =	vadd.f32 v16, v17;
	v15 =	vmul.f32 v18, v15;
	v17 =	vmul.f32 v21, v47;
	v18 =	vld.idx.msk [tilespmem:v51+s19+$0x0], $0xffff  }
0x8e: {  	v58 =	vor.u32 $0x1A, v13;
	v57 =	vor.u32 $0x19, v11;
	v21 =	vld.idx.msk [tilespmem:v52+s17+$0x0], $0xffff  }
0x8f: {  	v15 =	vadd.f32 v15, v16;
	v14 =	vmul.f32 v17, v14;
	v16 =	vmul.f32 v20, v50;
	v17 =	vld.idx.msk [tilespmem:v53+s19+$0x0], $0xffff  }
0x90: {  	v59 =	vor.u32 $0x1A, v11;
	v60 =	vor.u32 $0x1B, v13;
	v20 =	vld.idx.msk [tilespmem:v54+s17+$0x0], $0xffff  }
0x91: {  	v14 =	vadd.f32 v14, v15;
	v12 =	vmul.f32 v16, v12;
	v15 =	vmul.f32 v19, v23;
	v16 =	vld.idx.msk [tilespmem:v55+s19+$0x0], $0xffff  }
0x92: {  	v61 =	vor.u32 $0x1C, v13;
	v19 =	vld.idx.msk [tilespmem:v56+s17+$0x0], $0xffff;
	v23 =	vor.u32 $0x1B, v11  }
0x93: {  	v12 =	vadd.f32 v12, v14;
	v10 =	vmul.f32 v15, v10;
	v14 =	vmul.f32 v18, v22;
	v15 =	vld.idx.msk [tilespmem:v57+s19+$0x0], $0xffff  }
0x94: {  	v62 =	vor.u32 $0x1D, v13;
	v18 =	vld.idx.msk [tilespmem:v58+s17+$0x0], $0xffff;
	v22 =	vor.u32 $0x1C, v11  }
0x95: {  	v10 =	vadd.f32 v10, v12;
	v9 =	vmul.f32 v14, v9;
	v12 =	vmul.f32 v17, v21;
	v14 =	vld.idx.msk [tilespmem:v59+s19+$0x0], $0xffff  }
0x96: {  	v63 =	vor.u32 $0x1E, v13;
	v17 =	vld.idx.msk [tilespmem:v60+s17+$0x0], $0xffff;
	v21 =	vor.u32 $0x1D, v11  }
0x97: {  	v9 =	vadd.f32 v9, v10;
	v8 =	vmul.f32 v12, v8;
	v10 =	vmul.f32 v16, v20;
	v12 =	vld.idx.msk [tilespmem:v23+s19+$0x0], $0xffff  }
0x98: {  	v13 =	vor.u32 $0x1F, v13;
	v16 =	vld.idx.msk [tilespmem:v61+s17+$0x0], $0xffff;
	v20 =	vor.u32 $0x1E, v11  }
0x99: {  	v8 =	vadd.f32 v8, v9;
	v7 =	vmul.f32 v10, v7;
	v9 =	vmul.f32 v15, v19;
	v10 =	vld.idx.msk [tilespmem:v22+s19+$0x0], $0xffff  }
0x9a: {  	v11 =	vor.u32 $0x1F, v11;
	v15 =	vld.idx.msk [tilespmem:v62+s17+$0x0], $0xffff  }
0x9b: {  	v7 =	vadd.f32 v7, v8;
	v6 =	vmul.f32 v9, v6;
	v8 =	vmul.f32 v14, v18;
	v9 =	vld.idx.msk [tilespmem:v21+s19+$0x0], $0xffff  }
0x9c: {  	v14 =	vld.idx.msk [tilespmem:v63+s17+$0x0], $0xffff  }
0x9d: {  	v6 =	vadd.f32 v6, v7;
	v5 =	vmul.f32 v8, v5;
	v7 =	vmul.f32 v12, v17;
	v8 =	vld.idx.msk [tilespmem:v20+s19+$0x0], $0xffff  }
0x9e: {  	v12 =	vld.idx.msk [tilespmem:v13+s17+$0x0], $0xffff  }
0x9f: {  	v5 =	vadd.f32 v5, v6;
	v4 =	vmul.f32 v7, v4;
	v6 =	vmul.f32 v10, v16;
	v7 =	vld.idx.msk [tilespmem:v11+s19+$0x0], $0xffff  }
0xa0: {  	v10 =	vld [tilespmem:$0x11500]  }
0xa1: {  	v4 =	vadd.f32 v4, v5;
	v3 =	vmul.f32 v6, v3;
	v5 =	vmul.f32 v9, v15  }
0xa2: {  	v6 =	vld [tilespmem:$0x11580]  }
0xa3: {  	v3 =	vadd.f32 v3, v4;
	v2 =	vmul.f32 v5, v2;
	v4 =	vmul.f32 v8, v14;
	_ =	sdelay $0x1  }
0xa4: {  	v2 =	vadd.f32 v2, v3;
	v3 =	vmul.f32 v4, v10;
	v4 =	vmul.f32 v7, v12;
	_ =	sdelay $0x1  }
0xa5: {  	v2 =	vadd.f32 v3, v2;
	v3 =	vmul.f32 v4, v6;
	_ =	sdelay $0x1  }
0xa6: {  	v2 =	vadd.f32 v3, v2;
	_ =	sdelay $0x1  }
0xa7: {  	v2 =	vsub.f32 $0.0e+00, v2;
	_ =	sdelay $0x1  }
0xa8: {  	v2 =	vmul.f32 $1.442695020e+00, v2;
	_ =	sdelay $0x1  }
0xa9: {  	(erf) = vpow2.f32 v2;
	_ =	sdelay $0x8  }
0xaa: {  	v2 =	vpop (erf)  }
0xab: {  	v2 =	vadd.f32 $1.000000000e+00, v2;
	_ =	sdelay $0x1  }
0xac: {  	(erf) = vrcp.f32 v2;
	_ =	sdelay $0x8  }
0xad: {  	s23 =	sadd.s32 $0x11680, s24;
	v2 =	vpop (erf)  }
0xae: {  	[tilespmem:s23+$0x0] =	vst v2  }
0xaf: {  	v2 =	vld [tilespmem:$0x11480]  }
0xb0: {  	v3 =	vld [tilespmem:$0x11400]  }
0xb1: {  	v4 =	vld [tilespmem:$0x11380]  }
0xb2: {  	v5 =	vld [tilespmem:$0x11300]  }
0xb3: {  	v6 =	vld [tilespmem:$0x11280]  }
0xb4: {  	v7 =	vld [tilespmem:$0x11200]  }
0xb5: {  	v8 =	vld [tilespmem:$0x11180]  }
0xb6: {  	v9 =	vld [tilespmem:$0x11100]  }
0xb7: {  	v10 =	vld [tilespmem:$0x11080]  }
0xb8: {  	v11 =	vld [tilespmem:$0x11000]  }
0xb9: {  	v12 =	vld [tilespmem:$0x10F80]  }
0xba: {  	v13 =	vld [tilespmem:$0x10F00]  }
0xbb: {  	v14 =	vld [tilespmem:$0x10E80]  }
0xbc: {  	v15 =	vld [tilespmem:$0x10E00]  }
0xbd: {  	v16 =	vld [tilespmem:$0x10D80]  }
0xbe: {  	v17 =	vld [tilespmem:$0x10D00]  }
0xbf: {  	v18 =	vld [tilespmem:$0x10C80]  }
0xc0: {  	v19 =	vld [tilespmem:$0x10C00]  }
0xc1: {  	v20 =	vld [tilespmem:$0x10B80]  }
0xc2: {  	s24 =	sadd.s32 $0x10, s24;
	v21 =	vld [tilespmem:$0x10B00]  }
0xc3: {  	s26 =	sadd.s32 $0x10, s25;
	v23 =	vld [tilespmem:s24+$0x0]  }
0xc4: {  	s28 =	simm.s32 $0x20;
	s25 =	simm.s32 $0x10;
	v22 =	vld [tilespmem:s26+$0x0]  }
.LBB2_5:
0xc5: {  	p1 =	sne.s32 s28, $0xF0;
	v24 =	vld [tilespmem:$0x10A80]  }
0xc6: {  	v25 =	vld [tilespmem:$0x10A00]  }
0xc7: {  	v26 =	vmov s25;
	s25 =	smov.u32 s28;
	v27 =	vld [tilespmem:$0x10980]  }
0xc8: {  	v26 =	vshll.u32 v26, $0x7;
	v23 =	vshll.u32 v23, $0x5;
	v28 =	vld [tilespmem:$0x10900]  }
0xc9: {  	v26 =	vor.u32 v0, v26;
	v23 =	vand.u32 $0x60, v23;
	v22 =	vshll.u32 v22, $0x5;
	v29 =	vld [tilespmem:$0x10880]  }
0xca: {  	v22 =	vand.u32 $0x60, v22;
	v23 =	vor.u32 v26, v23;
	v30 =	vld [tilespmem:$0x10800]  }
0xcb: {  	v22 =	vor.u32 v26, v22;
	v26 =	vld [tilespmem:$0x10780]  }
0xcc: {  	v31 =	vor.u32 $0x1, v23;
	v32 =	vld [tilespmem:$0x10700]  }
0xcd: {  	v33 =	vor.u32 $0x1, v22;
	v34 =	vld [tilespmem:$0x10680]  }
0xce: {  	v36 =	vor.u32 $0x2, v23;
	v35 =	vld [tilespmem:$0x10600]  }
0xcf: {  	v38 =	vor.u32 $0x2, v22;
	v37 =	vld.idx.msk [tilespmem:v23+s17+$0x0], $0xffff  }
0xd0: {  	v40 =	vor.u32 $0x3, v23;
	v39 =	vld.idx.msk [tilespmem:v22+s19+$0x0], $0xffff  }
0xd1: {  	v41 =	vor.u32 $0x3, v22;
	v31 =	vld.idx.msk [tilespmem:v31+s17+$0x0], $0xffff  }
0xd2: {  	v42 =	vor.u32 $0x4, v23;
	v33 =	vld.idx.msk [tilespmem:v33+s19+$0x0], $0xffff  }
0xd3: {  	v43 =	vor.u32 $0x4, v22;
	v36 =	vld.idx.msk [tilespmem:v36+s17+$0x0], $0xffff  }
0xd4: {  	v44 =	vor.u32 $0x5, v23;
	v38 =	vld.idx.msk [tilespmem:v38+s19+$0x0], $0xffff  }
0xd5: {  	v45 =	vor.u32 $0x5, v22;
	v40 =	vld.idx.msk [tilespmem:v40+s17+$0x0], $0xffff  }
0xd6: {  	v37 =	vmul.f32 v39, v37;
	v39 =	vld.idx.msk [tilespmem:v41+s19+$0x0], $0xffff;
	v41 =	vor.u32 $0x6, v23  }
0xd7: {  	v46 =	vor.u32 $0x6, v22;
	v42 =	vld.idx.msk [tilespmem:v42+s17+$0x0], $0xffff  }
0xd8: {  	v35 =	vmul.f32 v37, v35;
	v31 =	vmul.f32 v33, v31;
	v37 =	vor.u32 $0x7, v23;
	v33 =	vld.idx.msk [tilespmem:v43+s19+$0x0], $0xffff  }
0xd9: {  	v47 =	vor.u32 $0x8, v23;
	v43 =	vld.idx.msk [tilespmem:v44+s17+$0x0], $0xffff;
	v44 =	vor.u32 $0x7, v22  }
0xda: {  	v35 =	vadd.f32 v35, v1;
	v31 =	vmul.f32 v31, v34;
	v34 =	vmul.f32 v38, v36;
	v36 =	vld.idx.msk [tilespmem:v45+s19+$0x0], $0xffff  }
0xdb: {  	v45 =	vor.u32 $0x9, v23;
	v38 =	vld.idx.msk [tilespmem:v41+s17+$0x0], $0xffff;
	v41 =	vor.u32 $0x8, v22  }
0xdc: {  	v31 =	vadd.f32 v31, v35;
	v32 =	vmul.f32 v34, v32;
	v34 =	vmul.f32 v39, v40;
	v35 =	vld.idx.msk [tilespmem:v46+s19+$0x0], $0xffff  }
0xdd: {  	v39 =	vor.u32 $0x9, v22;
	v40 =	vor.u32 $0xA, v23;
	v37 =	vld.idx.msk [tilespmem:v37+s17+$0x0], $0xffff  }
0xde: {  	v31 =	vadd.f32 v32, v31;
	v26 =	vmul.f32 v34, v26;
	v32 =	vmul.f32 v33, v42;
	v33 =	vld.idx.msk [tilespmem:v44+s19+$0x0], $0xffff  }
0xdf: {  	v42 =	vor.u32 $0xA, v22;
	v44 =	vor.u32 $0xB, v23;
	v34 =	vld.idx.msk [tilespmem:v47+s17+$0x0], $0xffff  }
0xe0: {  	v26 =	vadd.f32 v26, v31;
	v30 =	vmul.f32 v32, v30;
	v31 =	vmul.f32 v36, v43;
	v32 =	vld.idx.msk [tilespmem:v41+s19+$0x0], $0xffff  }
0xe1: {  	v43 =	vor.u32 $0xC, v23;
	v41 =	vor.u32 $0xB, v22;
	v36 =	vld.idx.msk [tilespmem:v45+s17+$0x0], $0xffff  }
0xe2: {  	v26 =	vadd.f32 v30, v26;
	v29 =	vmul.f32 v31, v29;
	v30 =	vmul.f32 v35, v38;
	v31 =	vld.idx.msk [tilespmem:v39+s19+$0x0], $0xffff  }
0xe3: {  	v38 =	vor.u32 $0xC, v22;
	v39 =	vor.u32 $0xD, v23;
	v35 =	vld.idx.msk [tilespmem:v40+s17+$0x0], $0xffff  }
0xe4: {  	v26 =	vadd.f32 v29, v26;
	v28 =	vmul.f32 v30, v28;
	v29 =	vmul.f32 v33, v37;
	v30 =	vld.idx.msk [tilespmem:v42+s19+$0x0], $0xffff  }
0xe5: {  	v37 =	vor.u32 $0xD, v22;
	v40 =	vor.u32 $0xE, v23;
	v33 =	vld.idx.msk [tilespmem:v44+s17+$0x0], $0xffff  }
0xe6: {  	v26 =	vadd.f32 v28, v26;
	v27 =	vmul.f32 v29, v27;
	v28 =	vmul.f32 v32, v34;
	v29 =	vld.idx.msk [tilespmem:v41+s19+$0x0], $0xffff  }
0xe7: {  	v34 =	vor.u32 $0xE, v22;
	v41 =	vor.u32 $0xF, v23;
	v32 =	vld.idx.msk [tilespmem:v43+s17+$0x0], $0xffff  }
0xe8: {  	v26 =	vadd.f32 v27, v26;
	v25 =	vmul.f32 v28, v25;
	v27 =	vmul.f32 v31, v36;
	v28 =	vld.idx.msk [tilespmem:v38+s19+$0x0], $0xffff  }
0xe9: {  	v36 =	vor.u32 $0xF, v22;
	v38 =	vor.u32 $0x10, v23;
	v31 =	vld.idx.msk [tilespmem:v39+s17+$0x0], $0xffff  }
0xea: {  	v25 =	vadd.f32 v25, v26;
	v24 =	vmul.f32 v27, v24;
	v26 =	vmul.f32 v30, v35;
	v27 =	vld.idx.msk [tilespmem:v37+s19+$0x0], $0xffff  }
0xeb: {  	v35 =	vor.u32 $0x10, v22;
	v37 =	vor.u32 $0x11, v23;
	v30 =	vld.idx.msk [tilespmem:v40+s17+$0x0], $0xffff  }
0xec: {  	v24 =	vadd.f32 v24, v25;
	v21 =	vmul.f32 v26, v21;
	v25 =	vmul.f32 v29, v33;
	v26 =	vld.idx.msk [tilespmem:v34+s19+$0x0], $0xffff  }
0xed: {  	v33 =	vor.u32 $0x11, v22;
	v34 =	vor.u32 $0x12, v23;
	v29 =	vld.idx.msk [tilespmem:v41+s17+$0x0], $0xffff  }
0xee: {  	v21 =	vadd.f32 v21, v24;
	v20 =	vmul.f32 v25, v20;
	v24 =	vmul.f32 v28, v32;
	v25 =	vld.idx.msk [tilespmem:v36+s19+$0x0], $0xffff  }
0xef: {  	v32 =	vor.u32 $0x12, v22;
	v36 =	vor.u32 $0x13, v23;
	v28 =	vld.idx.msk [tilespmem:v38+s17+$0x0], $0xffff  }
0xf0: {  	v20 =	vadd.f32 v20, v21;
	v19 =	vmul.f32 v24, v19;
	v21 =	vmul.f32 v27, v31;
	v24 =	vld.idx.msk [tilespmem:v35+s19+$0x0], $0xffff  }
0xf1: {  	v31 =	vor.u32 $0x13, v22;
	v35 =	vor.u32 $0x14, v23;
	v27 =	vld.idx.msk [tilespmem:v37+s17+$0x0], $0xffff  }
0xf2: {  	v19 =	vadd.f32 v19, v20;
	v18 =	vmul.f32 v21, v18;
	v20 =	vmul.f32 v26, v30;
	v21 =	vld.idx.msk [tilespmem:v33+s19+$0x0], $0xffff  }
0xf3: {  	v30 =	vor.u32 $0x14, v22;
	v33 =	vor.u32 $0x15, v23;
	v26 =	vld.idx.msk [tilespmem:v34+s17+$0x0], $0xffff  }
0xf4: {  	v18 =	vadd.f32 v18, v19;
	v17 =	vmul.f32 v20, v17;
	v19 =	vmul.f32 v25, v29;
	v20 =	vld.idx.msk [tilespmem:v32+s19+$0x0], $0xffff  }
0xf5: {  	v29 =	vor.u32 $0x15, v22;
	v32 =	vor.u32 $0x16, v23;
	v25 =	vld.idx.msk [tilespmem:v36+s17+$0x0], $0xffff  }
0xf6: {  	v17 =	vadd.f32 v17, v18;
	v16 =	vmul.f32 v19, v16;
	v18 =	vmul.f32 v24, v28;
	v19 =	vld.idx.msk [tilespmem:v31+s19+$0x0], $0xffff  }
0xf7: {  	v28 =	vor.u32 $0x16, v22;
	v31 =	vor.u32 $0x17, v23;
	v24 =	vld.idx.msk [tilespmem:v35+s17+$0x0], $0xffff  }
0xf8: {  	v16 =	vadd.f32 v16, v17;
	v15 =	vmul.f32 v18, v15;
	v17 =	vmul.f32 v21, v27;
	v18 =	vld.idx.msk [tilespmem:v30+s19+$0x0], $0xffff  }
0xf9: {  	v27 =	vor.u32 $0x17, v22;
	v30 =	vor.u32 $0x18, v23;
	v21 =	vld.idx.msk [tilespmem:v33+s17+$0x0], $0xffff  }
0xfa: {  	v15 =	vadd.f32 v15, v16;
	v14 =	vmul.f32 v17, v14;
	v16 =	vmul.f32 v20, v26;
	v17 =	vld.idx.msk [tilespmem:v29+s19+$0x0], $0xffff  }
0xfb: {  	v26 =	vor.u32 $0x18, v22;
	v29 =	vor.u32 $0x19, v23;
	v20 =	vld.idx.msk [tilespmem:v32+s17+$0x0], $0xffff  }
0xfc: {  	v14 =	vadd.f32 v14, v15;
	v13 =	vmul.f32 v16, v13;
	v15 =	vmul.f32 v19, v25;
	v16 =	vld.idx.msk [tilespmem:v28+s19+$0x0], $0xffff  }
0xfd: {  	v25 =	vor.u32 $0x19, v22;
	v28 =	vor.u32 $0x1A, v23;
	v19 =	vld.idx.msk [tilespmem:v31+s17+$0x0], $0xffff  }
0xfe: {  	v13 =	vadd.f32 v13, v14;
	v12 =	vmul.f32 v15, v12;
	v14 =	vmul.f32 v18, v24;
	v15 =	vld.idx.msk [tilespmem:v27+s19+$0x0], $0xffff  }
0xff: {  	v24 =	vor.u32 $0x1A, v22;
	v27 =	vor.u32 $0x1B, v23;
	v18 =	vld.idx.msk [tilespmem:v30+s17+$0x0], $0xffff  }
0x100: {  	v12 =	vadd.f32 v12, v13;
	v11 =	vmul.f32 v14, v11;
	v13 =	vmul.f32 v17, v21;
	v14 =	vld.idx.msk [tilespmem:v26+s19+$0x0], $0xffff  }
0x101: {  	v21 =	vor.u32 $0x1B, v22;
	v26 =	vor.u32 $0x1C, v23;
	v17 =	vld.idx.msk [tilespmem:v29+s17+$0x0], $0xffff  }
0x102: {  	v11 =	vadd.f32 v11, v12;
	v10 =	vmul.f32 v13, v10;
	v12 =	vmul.f32 v16, v20;
	v13 =	vld.idx.msk [tilespmem:v25+s19+$0x0], $0xffff  }
0x103: {  	v20 =	vor.u32 $0x1C, v22;
	v25 =	vor.u32 $0x1D, v23;
	v16 =	vld.idx.msk [tilespmem:v28+s17+$0x0], $0xffff  }
0x104: {  	v10 =	vadd.f32 v10, v11;
	v9 =	vmul.f32 v12, v9;
	v11 =	vmul.f32 v15, v19;
	v12 =	vld.idx.msk [tilespmem:v24+s19+$0x0], $0xffff  }
0x105: {  	v19 =	vor.u32 $0x1D, v22;
	v24 =	vor.u32 $0x1E, v23;
	v15 =	vld.idx.msk [tilespmem:v27+s17+$0x0], $0xffff  }
0x106: {  	v9 =	vadd.f32 v9, v10;
	v8 =	vmul.f32 v11, v8;
	v10 =	vmul.f32 v14, v18;
	v11 =	vld.idx.msk [tilespmem:v21+s19+$0x0], $0xffff  }
0x107: {  	v18 =	vor.u32 $0x1E, v22;
	v21 =	vor.u32 $0x1F, v23;
	v14 =	vld.idx.msk [tilespmem:v26+s17+$0x0], $0xffff  }
0x108: {  	v8 =	vadd.f32 v8, v9;
	v7 =	vmul.f32 v10, v7;
	v9 =	vmul.f32 v13, v17;
	v10 =	vld.idx.msk [tilespmem:v20+s19+$0x0], $0xffff  }
0x109: {  	v17 =	vor.u32 $0x1F, v22;
	v13 =	vld.idx.msk [tilespmem:v25+s17+$0x0], $0xffff  }
0x10a: {  	v7 =	vadd.f32 v7, v8;
	v6 =	vmul.f32 v9, v6;
	v8 =	vmul.f32 v12, v16;
	v9 =	vld.idx.msk [tilespmem:v19+s19+$0x0], $0xffff  }
0x10b: {  	v12 =	vld.idx.msk [tilespmem:v24+s17+$0x0], $0xffff  }
0x10c: {  	v6 =	vadd.f32 v6, v7;
	v5 =	vmul.f32 v8, v5;
	v7 =	vmul.f32 v11, v15;
	v8 =	vld.idx.msk [tilespmem:v18+s19+$0x0], $0xffff  }
0x10d: {  	v11 =	vld.idx.msk [tilespmem:v21+s17+$0x0], $0xffff  }
0x10e: {  	v5 =	vadd.f32 v5, v6;
	v4 =	vmul.f32 v7, v4;
	v6 =	vmul.f32 v10, v14;
	v7 =	vld.idx.msk [tilespmem:v17+s19+$0x0], $0xffff  }
0x10f: {  	v10 =	vld [tilespmem:$0x11500]  }
0x110: {  	v4 =	vadd.f32 v4, v5;
	v3 =	vmul.f32 v6, v3;
	v5 =	vmul.f32 v9, v13  }
0x111: {  	v6 =	vld [tilespmem:$0x11580]  }
0x112: {  	v3 =	vadd.f32 v3, v4;
	v2 =	vmul.f32 v5, v2;
	v4 =	vmul.f32 v8, v12;
	_ =	sdelay $0x1  }
0x113: {  	v2 =	vadd.f32 v2, v3;
	v3 =	vmul.f32 v4, v10;
	v4 =	vmul.f32 v7, v11;
	_ =	sdelay $0x1  }
0x114: {  	v2 =	vadd.f32 v3, v2;
	v3 =	vmul.f32 v4, v6;
	_ =	sdelay $0x1  }
0x115: {  	v2 =	vadd.f32 v3, v2;
	_ =	sdelay $0x1  }
0x116: {  	v2 =	vsub.f32 $0.0e+00, v2;
	_ =	sdelay $0x1  }
0x117: {  	v2 =	vmul.f32 $1.442695020e+00, v2;
	_ =	sdelay $0x1  }
0x118: {  	(erf) = vpow2.f32 v2;
	_ =	sdelay $0x8  }
0x119: {  	v2 =	vpop (erf)  }
0x11a: {  	v2 =	vadd.f32 $1.000000000e+00, v2;
	_ =	sdelay $0x1  }
0x11b: {  	(erf) = vrcp.f32 v2;
	_ =	sdelay $0x8  }
0x11c: {  	s23 =	sadd.s32 $0x10, s23;
	v2 =	vpop (erf)  }
0x11d: {  	[tilespmem:s23+$0x0] =	vst v2  }
0x11e: {  	v2 =	vld [tilespmem:$0x11480]  }
0x11f: {  	v3 =	vld [tilespmem:$0x11400]  }
0x120: {  	v4 =	vld [tilespmem:$0x11380]  }
0x121: {  	v5 =	vld [tilespmem:$0x11300]  }
0x122: {  	v6 =	vld [tilespmem:$0x11280]  }
0x123: {  	v7 =	vld [tilespmem:$0x11200]  }
0x124: {  	v8 =	vld [tilespmem:$0x11180]  }
0x125: {  	v9 =	vld [tilespmem:$0x11100]  }
0x126: {  	v10 =	vld [tilespmem:$0x11080]  }
0x127: {  	v11 =	vld [tilespmem:$0x11000]  }
0x128: {  	v12 =	vld [tilespmem:$0x10F80]  }
0x129: {  	v13 =	vld [tilespmem:$0x10F00]  }
0x12a: {  	v14 =	vld [tilespmem:$0x10E80]  }
0x12b: {  	v15 =	vld [tilespmem:$0x10E00]  }
0x12c: {  	v16 =	vld [tilespmem:$0x10D80]  }
0x12d: {  	v17 =	vld [tilespmem:$0x10D00]  }
0x12e: {  	v18 =	vld [tilespmem:$0x10C80]  }
.Ltmp1:
0x12f: {  	v19 =	vld [tilespmem:$0x10C00];
	(pc) =	sbr.rel @p1 .LBB2_5-.Ltmp1, $4  }
0x130: {  	v20 =	vld [tilespmem:$0x10B80]  }
0x131: {  	s24 =	sadd.s32 $0x10, s24;
	v21 =	vld [tilespmem:$0x10B00]  }
0x132: {  	s26 =	sadd.s32 $0x10, s26;
	v23 =	vld [tilespmem:s24+$0x0]  }
0x133: {  	s28 =	sadd.s32 $0x10, s28;
	v22 =	vld [tilespmem:s26+$0x0]  }
0x134: {  	v24 =	vld [tilespmem:$0x10A80]  }
0x135: {  	v25 =	vld [tilespmem:$0x10A00]  }
0x136: {  	v26 =	vmov s25;
	v27 =	vld [tilespmem:$0x10980]  }
0x137: {  	v28 =	vld [tilespmem:$0x10900];
	v26 =	vshll.u32 v26, $0x7;
	v23 =	vshll.u32 v23, $0x5  }
0x138: {  	v29 =	vld [tilespmem:$0x10880];
	v26 =	vor.u32 v0, v26;
	v23 =	vand.u32 $0x60, v23;
	v22 =	vshll.u32 v22, $0x5  }
0x139: {  	v30 =	vld [tilespmem:$0x10800];
	v22 =	vand.u32 $0x60, v22;
	v23 =	vor.u32 v26, v23  }
0x13a: {  	v49 =	vld [tilespmem:$0x10780];
	v22 =	vor.u32 v26, v22  }
0x13b: {  	v32 =	vld [tilespmem:$0x10700];
	v31 =	vor.u32 $0x1, v23  }
0x13c: {  	v34 =	vld [tilespmem:$0x10680];
	v36 =	vor.u32 $0x2, v23  }
0x13d: {  	v35 =	vld [tilespmem:$0x10600];
	v33 =	vor.u32 $0x1, v22  }
0x13e: {  	v40 =	vor.u32 $0x3, v23;
	v37 =	vld.idx.msk [tilespmem:v23+s17+$0x0], $0xffff  }
0x13f: {  	v38 =	vor.u32 $0x2, v22;
	v39 =	vld.idx.msk [tilespmem:v22+s19+$0x0], $0xffff  }
0x140: {  	v42 =	vor.u32 $0x4, v23;
	v31 =	vld.idx.msk [tilespmem:v31+s17+$0x0], $0xffff  }
0x141: {  	v41 =	vor.u32 $0x3, v22;
	v36 =	vld.idx.msk [tilespmem:v36+s17+$0x0], $0xffff  }
0x142: {  	v44 =	vor.u32 $0x5, v23;
	v33 =	vld.idx.msk [tilespmem:v33+s19+$0x0], $0xffff  }
0x143: {  	v43 =	vor.u32 $0x4, v22;
	v40 =	vld.idx.msk [tilespmem:v40+s17+$0x0], $0xffff  }
0x144: {  	v45 =	vor.u32 $0x5, v22;
	v38 =	vld.idx.msk [tilespmem:v38+s19+$0x0], $0xffff  }
0x145: {  	v46 =	vor.u32 $0x6, v22;
	v42 =	vld.idx.msk [tilespmem:v42+s17+$0x0], $0xffff;
	v37 =	vmul.f32 v39, v37  }
0x146: {  	v51 =	vor.u32 $0x6, v23;
	v50 =	vld.idx.msk [tilespmem:v41+s19+$0x0], $0xffff  }
0x147: {  	v47 =	vor.u32 $0x8, v23;
	v54 =	vld.idx.msk [tilespmem:v44+s17+$0x0], $0xffff;
	v31 =	vmul.f32 v33, v31;
	v35 =	vmul.f32 v37, v35  }
0x148: {  	v53 =	vor.u32 $0x7, v23;
	v55 =	vor.u32 $0x7, v22;
	v52 =	vld.idx.msk [tilespmem:v43+s19+$0x0], $0xffff  }
0x149: {  	v57 =	vld.idx.msk [tilespmem:v45+s19+$0x0], $0xffff;
	v56 =	vmul.f32 v38, v36;
	v31 =	vmul.f32 v31, v34;
	v35 =	vadd.f32 v35, v1  }
0x14a: {  	v59 =	vor.u32 $0x9, v23;
	v58 =	vor.u32 $0x8, v22;
	v61 =	vld.idx.msk [tilespmem:v46+s19+$0x0], $0xffff  }
0x14b: {  	v38 =	vld.idx.msk [tilespmem:v51+s17+$0x0], $0xffff;
	v60 =	vmul.f32 v50, v40;
	v32 =	vmul.f32 v56, v32;
	v31 =	vadd.f32 v31, v35  }
0x14c: {  	v63 =	vor.u32 $0xA, v23;
	v62 =	vor.u32 $0x9, v22;
	v50 =	vld.idx.msk [tilespmem:v47+s17+$0x0], $0xffff  }
0x14d: {  	v48 =	vmul.f32 v52, v42;
	v37 =	vld.idx.msk [tilespmem:v53+s17+$0x0], $0xffff;
	v26 =	vmul.f32 v60, v49;
	v31 =	vadd.f32 v32, v31  }
0x14e: {  	v51 =	vor.u32 $0xA, v22;
	v52 =	vor.u32 $0xB, v23;
	v49 =	vld.idx.msk [tilespmem:v55+s19+$0x0], $0xffff  }
0x14f: {  	v53 =	vmul.f32 v57, v54;
	v54 =	vld.idx.msk [tilespmem:v58+s19+$0x0], $0xffff;
	v30 =	vmul.f32 v48, v30;
	v26 =	vadd.f32 v26, v31  }
0x150: {  	v57 =	vor.u32 $0xC, v23;
	v55 =	vld.idx.msk [tilespmem:v59+s17+$0x0], $0xffff;
	v56 =	vor.u32 $0xB, v22  }
0x151: {  	v59 =	vld.idx.msk [tilespmem:v62+s19+$0x0], $0xffff;
	v29 =	vmul.f32 v53, v29;
	v58 =	vmul.f32 v61, v38;
	v26 =	vadd.f32 v30, v26  }
0x152: {  	v60 =	vld.idx.msk [tilespmem:v63+s17+$0x0], $0xffff;
	v62 =	vor.u32 $0xD, v23;
	v61 =	vor.u32 $0xC, v22  }
0x153: {  	v45 =	vld.idx.msk [tilespmem:v51+s19+$0x0], $0xffff;
	v28 =	vmul.f32 v58, v28;
	v63 =	vmul.f32 v49, v37;
	v26 =	vadd.f32 v29, v26  }
0x154: {  	v47 =	vor.u32 $0xD, v22;
	v53 =	vor.u32 $0xF, v23;
	v46 =	vld.idx.msk [tilespmem:v52+s17+$0x0], $0xffff  }
0x155: {  	v51 =	vld.idx.msk [tilespmem:v57+s17+$0x0], $0xffff;
	v49 =	vmul.f32 v54, v50;
	v27 =	vmul.f32 v63, v27;
	v26 =	vadd.f32 v28, v26  }
0x156: {  	v48 =	vor.u32 $0xE, v23;
	v52 =	vor.u32 $0xE, v22;
	v50 =	vld.idx.msk [tilespmem:v56+s19+$0x0], $0xffff  }
0x157: {  	v54 =	vmul.f32 v59, v55;
	v56 =	vld.idx.msk [tilespmem:v62+s17+$0x0], $0xffff;
	v25 =	vmul.f32 v49, v25;
	v26 =	vadd.f32 v27, v26  }
0x158: {  	v57 =	vor.u32 $0xF, v22;
	v58 =	vor.u32 $0x10, v23;
	v55 =	vld.idx.msk [tilespmem:v61+s19+$0x0], $0xffff  }
0x159: {  	v42 =	vld.idx.msk [tilespmem:v53+s17+$0x0], $0xffff;
	v24 =	vmul.f32 v54, v24;
	v59 =	vmul.f32 v45, v60;
	v25 =	vadd.f32 v25, v26  }
0x15a: {  	v44 =	vor.u32 $0x12, v23;
	v62 =	vor.u32 $0x10, v22;
	v60 =	vld.idx.msk [tilespmem:v47+s19+$0x0], $0xffff  }
0x15b: {  	v61 =	vld.idx.msk [tilespmem:v48+s17+$0x0], $0xffff;
	v21 =	vmul.f32 v59, v21;
	v39 =	vmul.f32 v50, v46;
	v24 =	vadd.f32 v24, v25  }
0x15c: {  	v43 =	vor.u32 $0x11, v22;
	v63 =	vor.u32 $0x11, v23;
	v40 =	vld.idx.msk [tilespmem:v52+s19+$0x0], $0xffff  }
0x15d: {  	v46 =	vld.idx.msk [tilespmem:v57+s19+$0x0], $0xffff;
	v20 =	vmul.f32 v39, v20;
	v45 =	vmul.f32 v55, v51;
	v21 =	vadd.f32 v21, v24  }
0x15e: {  	v53 =	vor.u32 $0x13, v22;
	v48 =	vor.u32 $0x12, v22;
	v47 =	vld.idx.msk [tilespmem:v58+s17+$0x0], $0xffff  }
0x15f: {  	v57 =	vld.idx.msk [tilespmem:v44+s17+$0x0], $0xffff;
	v50 =	vmul.f32 v60, v56;
	v19 =	vmul.f32 v45, v19;
	v20 =	vadd.f32 v20, v21  }
0x160: {  	v49 =	vor.u32 $0x13, v23;
	v54 =	vor.u32 $0x14, v23;
	v51 =	vld.idx.msk [tilespmem:v62+s19+$0x0], $0xffff  }
0x161: {  	v52 =	vld.idx.msk [tilespmem:v63+s17+$0x0], $0xffff;
	v55 =	vmul.f32 v40, v61;
	v18 =	vmul.f32 v50, v18;
	v19 =	vadd.f32 v19, v20  }
0x162: {  	v41 =	vor.u32 $0x17, v23;
	v58 =	vor.u32 $0x14, v22;
	v56 =	vld.idx.msk [tilespmem:v43+s19+$0x0], $0xffff  }
0x163: {  	v38 =	vld.idx.msk [tilespmem:v53+s19+$0x0], $0xffff;
	v17 =	vmul.f32 v55, v17;
	v60 =	vmul.f32 v46, v42;
	v18 =	vadd.f32 v18, v19  }
0x164: {  	v59 =	vor.u32 $0x15, v23;
	v63 =	vor.u32 $0x15, v22;
	v61 =	vld.idx.msk [tilespmem:v48+s19+$0x0], $0xffff  }
0x165: {  	v39 =	vld.idx.msk [tilespmem:v54+s17+$0x0], $0xffff;
	v16 =	vmul.f32 v60, v16;
	v37 =	vmul.f32 v51, v47;
	v17 =	vadd.f32 v17, v18  }
0x166: {  	v36 =	vor.u32 $0x16, v23;
	v62 =	vld.idx.msk [tilespmem:v49+s17+$0x0], $0xffff;
	v40 =	vor.u32 $0x16, v22  }
0x167: {  	v54 =	vld.idx.msk [tilespmem:v41+s17+$0x0], $0xffff;
	v42 =	vmul.f32 v56, v52;
	v15 =	vmul.f32 v37, v15;
	v16 =	vadd.f32 v16, v17  }
0x168: {  	v43 =	vld.idx.msk [tilespmem:v58+s19+$0x0], $0xffff;
	v45 =	vor.u32 $0x17, v22;
	v46 =	vor.u32 $0x18, v23  }
0x169: {  	v44 =	vld.idx.msk [tilespmem:v59+s17+$0x0], $0xffff;
	v47 =	vmul.f32 v61, v57;
	v14 =	vmul.f32 v42, v14;
	v15 =	vadd.f32 v15, v16  }
0x16a: {  	v50 =	vor.u32 $0x18, v22;
	v55 =	vor.u32 $0x19, v22;
	v48 =	vld.idx.msk [tilespmem:v63+s19+$0x0], $0xffff  }
0x16b: {  	v49 =	vld.idx.msk [tilespmem:v36+s17+$0x0], $0xffff;
	v52 =	vmul.f32 v38, v62;
	v13 =	vmul.f32 v47, v13;
	v14 =	vadd.f32 v14, v15  }
0x16c: {  	v30 =	vor.u32 $0x1B, v22;
	v51 =	vor.u32 $0x19, v23;
	v53 =	vld.idx.msk [tilespmem:v40+s19+$0x0], $0xffff  }
0x16d: {  	v12 =	vmul.f32 v52, v12;
	v57 =	vmul.f32 v43, v39;
	v58 =	vld.idx.msk [tilespmem:v45+s19+$0x0], $0xffff;
	v13 =	vadd.f32 v13, v14  }
0x16e: {  	v60 =	vor.u32 $0x1A, v22;
	v56 =	vor.u32 $0x1A, v23;
	v59 =	vld.idx.msk [tilespmem:v46+s17+$0x0], $0xffff  }
0x16f: {  	v63 =	vld.idx.msk [tilespmem:v50+s19+$0x0], $0xffff;
	v11 =	vmul.f32 v57, v11;
	v62 =	vmul.f32 v48, v44;
	v12 =	vadd.f32 v12, v13  }
0x170: {  	v31 =	vor.u32 $0x1C, v23;
	v61 =	vor.u32 $0x1B, v23;
	v33 =	vld.idx.msk [tilespmem:v55+s19+$0x0], $0xffff  }
0x171: {  	v43 =	vld.idx.msk [tilespmem:v30+s19+$0x0], $0xffff;
	v32 =	vmul.f32 v53, v49;
	v10 =	vmul.f32 v62, v10;
	v11 =	vadd.f32 v11, v12  }
0x172: {  	v35 =	vor.u32 $0x1C, v22;
	v36 =	vor.u32 $0x1D, v23;
	v29 =	vld.idx.msk [tilespmem:v51+s17+$0x0], $0xffff  }
0x173: {  	v38 =	vld.idx.msk [tilespmem:v60+s19+$0x0], $0xffff;
	v9 =	vmul.f32 v32, v9;
	v37 =	vmul.f32 v58, v54;
	v10 =	vadd.f32 v10, v11  }
0x174: {  	v41 =	vor.u32 $0x1E, v23;
	v40 =	vor.u32 $0x1D, v22;
	v34 =	vld.idx.msk [tilespmem:v56+s17+$0x0], $0xffff  }
0x175: {  	v44 =	vld.idx.msk [tilespmem:v31+s17+$0x0], $0xffff;
	v42 =	vmul.f32 v63, v59;
	v8 =	vmul.f32 v37, v8;
	v9 =	vadd.f32 v9, v10  }
0x176: {  	v45 =	vor.u32 $0x1E, v22;
	v46 =	vor.u32 $0x1F, v23;
	v39 =	vld.idx.msk [tilespmem:v61+s17+$0x0], $0xffff  }
0x177: {  	v48 =	vld.idx.msk [tilespmem:v35+s19+$0x0], $0xffff;
	v7 =	vmul.f32 v42, v7;
	v47 =	vmul.f32 v33, v29;
	v8 =	vadd.f32 v8, v9  }
0x178: {  	v50 =	vor.u32 $0x1F, v22;
	v49 =	vld.idx.msk [tilespmem:v36+s17+$0x0], $0xffff  }
0x179: {  	v52 =	vld.idx.msk [tilespmem:v40+s19+$0x0], $0xffff;
	v51 =	vmul.f32 v38, v34;
	v6 =	vmul.f32 v47, v6;
	v7 =	vadd.f32 v7, v8  }
0x17a: {  	v53 =	vld.idx.msk [tilespmem:v41+s17+$0x0], $0xffff  }
0x17b: {  	v55 =	vld.idx.msk [tilespmem:v45+s19+$0x0], $0xffff;
	v54 =	vmul.f32 v43, v39;
	v5 =	vmul.f32 v51, v5;
	v6 =	vadd.f32 v6, v7  }
0x17c: {  	v56 =	vld.idx.msk [tilespmem:v46+s17+$0x0], $0xffff  }
0x17d: {  	v58 =	vld.idx.msk [tilespmem:v50+s19+$0x0], $0xffff;
	v57 =	vmul.f32 v48, v44;
	v4 =	vmul.f32 v54, v4;
	v5 =	vadd.f32 v5, v6  }
0x17e: {  	v59 =	vld [tilespmem:$0x11500]  }
0x17f: {  	v60 =	vmul.f32 v52, v49;
	v3 =	vmul.f32 v57, v3;
	v4 =	vadd.f32 v4, v5  }
0x180: {  	v61 =	vld [tilespmem:$0x11580]  }
0x181: {  	v2 =	vmul.f32 v60, v2;
	v62 =	vmul.f32 v55, v53;
	v3 =	vadd.f32 v3, v4;
	_ =	sdelay $0x1  }
0x182: {  	v63 =	vmul.f32 v58, v56;
	v2 =	vadd.f32 v2, v3;
	v3 =	vmul.f32 v62, v59;
	_ =	sdelay $0x1  }
0x183: {  	v2 =	vadd.f32 v3, v2;
	v3 =	vmul.f32 v63, v61;
	_ =	sdelay $0x1  }
0x184: {  	v2 =	vadd.f32 v3, v2;
	_ =	sdelay $0x1  }
0x185: {  	v2 =	vsub.f32 $0.0e+00, v2;
	_ =	sdelay $0x1  }
0x186: {  	v2 =	vmul.f32 $1.442695020e+00, v2;
	_ =	sdelay $0x1  }
0x187: {  	(erf) = vpow2.f32 v2;
	_ =	sdelay $0x8  }
0x188: {  	v2 =	vpop (erf)  }
0x189: {  	v2 =	vadd.f32 $1.000000000e+00, v2;
	_ =	sdelay $0x1  }
0x18a: {  	(erf) = vrcp.f32 v2;
	_ =	sdelay $0x5  }
.Ltmp2:
0x18b: {  	_ = 	snop;
	(pc) =	sbr.rel @p0 .LBB2_2-.Ltmp2, $3  }
0x18c: {  	_ =	sdelay $0x1  }
0x18d: {  	s23 =	sadd.s32 $0x10, s23;
	v2 =	vpop (erf)  }
0x18e: {  	p1 =	por $0x0, $0x0;
	[tilespmem:s23+$0x0] =	vst v2;
	s23 =	simm.s32 $0x100  }
0x18f: {  	s22 =	sadd.s32 $0x1, s22  }
0x190: {  	p0 =	sne.s32 s22, s10  }
.Ltmp3:
0x191: {  	_ = 	snop;
	(pc) =	sbr.rel @p0 .LBB2_1-.Ltmp3, $4  }
0x192: {  	[hbm4b:s9+s5] =	stream.linear.scatter [tilespmem:s21], [sflag:$0x2], $0x200, $0x38;
	[tilespmem:$0x11880] =	vst v63  }
0x193: {  	_ =	swait.ge [sflag:s11], $0x200  }
0x194: {  	[sflag:s11] =	ssyncset.done $0x0  }
0x195: {  	[sflag:s11] =	ssyncadd.s32 $0xFFFFFE00  }
0x196: {  	_ =	sfence.sel $0x180000  }
0x197: {  	[bflag:$0x0] =	sbarrier.arrive $0xFFFF  }
0x198: {  	p0 =	sne.s32 s4, $0x0;
	_ =	strace $0x90000047  }
0x199: {  	s0 =	sadd.s32 @!p0 $0x100000, s0;
	[bflag:$0x2] =	sbarrier.arrive $0xFFFF  }
0x19a: {  	[sflag:s0] =	ssyncadd.tile.s32 @!p0 $0x1;
	_ =	shalt  }
.Lfunc_end2:
_tile_overlayer_lowered:
.L_overlay_start_2:
0x19b: {  	(tag) =	ssettag $0x2  }
0x19c: {  	s0 =	rddreg [dreg:$0x0];
	s2 =	stileid.u32  }
0x19d: {  	s1 =	rddreg [dreg:$0x1];
	p0 =	sne.s32 s2, $0x0  }
0x19e: {  	s3 =	rddreg [dreg:$0x2];
	[bflag:$0x3] =	sbarrier.arrive $0xFFFF;
	s2 =	simm.s32 @!p0 $0x1C02  }
0x19f: {  	[timem:s3], [sflag:s2] =	dma.local @!p0 [hbm:s0], s1  }
0x1a0: {  	s0 =	simm.s32 @!p0 $0x2  }
0x1a1: {  	_ =	swait.ge @!p0 [sflag:s0], s1  }
0x1a2: {  	s1 =	ssub.s32 @!p0 $0x0, s1;
	[sflag:s0] =	ssyncset.done @!p0 $0x0  }
0x1a3: {  	[sflag:s0] =	ssyncadd.s32 @!p0 s1  }
0x1a4: {  	[bflag:$0x3] =	sbarrier.arrive $0xFFFF  }
0x1a5: {  	_ =	shalt  }

</sc_bundles>
